<compile_context>
chip_gen: v7x
topology: tpu7x:2x2x1
jax: 0.10.2.dev20260603
libtpu: 0.0.44.dev20260713+nightly
codegen_flags: <defaults>
</compile_context>

<pallas_src>
import functools

import jax
import jax.numpy as jnp
from jax import lax
from jax.experimental import pallas as pl
from jax.experimental.pallas import tpu as pltpu
from jax.experimental.pallas import tpu_sc as plsc

VOCAB = 1000000
D = 64
BATCH = 4096
HIST = 200

NC, NS = 2, 16
NW = NC * NS
B_TOT = BATCH * HIST
BPW = B_TOT // NW
CHUNK = 256
NCHUNK = BPW // CHUNK
NBUF = 4

BB = 128


def _gather_body(idx_hbm, table_hbm, out_hbm, idx_v, rows0, rows1, rows2,
                 rows3, g0, g1, g2, g3):
  rows = (rows0, rows1, rows2, rows3)
  gsem = (g0, g1, g2, g3)
  c = lax.axis_index("c")
  s = lax.axis_index("s")
  wid = s * NC + c
  pltpu.sync_copy(idx_hbm.at[wid], idx_v)
  base = wid * BPW

  def start_gather(j, b):
    pltpu.make_async_copy(table_hbm.at[idx_v.at[j]], rows[b], gsem[b]).start()

  def wait_gather(b):
    pltpu.make_async_copy(table_hbm.at[idx_v.at[0]], rows[b], gsem[b]).wait()

  for b in range(NBUF):
    start_gather(b, b)

  @pl.loop(0, NCHUNK - NBUF, step=NBUF)
  def _(jj):
    for b in range(NBUF):
      j = jj + b
      wait_gather(b)
      pltpu.sync_copy(rows[b], out_hbm.at[pl.ds(base + j * CHUNK, CHUNK)])
      start_gather(j + NBUF, b)

  for b in range(NBUF):
    j = NCHUNK - NBUF + b
    wait_gather(b)
    pltpu.sync_copy(rows[b], out_hbm.at[pl.ds(base + j * CHUNK, CHUNK)])


def _pane_body(in_ref, out_ref):
  x = in_ref[...].reshape(BB, HIST // 2, 2 * D)
  for hp in range(HIST // 2):
    xt = jnp.transpose(x[:, hp, :])
    out_ref[pl.ds(2 * hp, 2)] = xt.reshape(2, D, BB)


@jax.jit
def _embed(x_flat, table):
  mesh = plsc.VectorSubcoreMesh(
      core_axis_name="c", subcore_axis_name="s", num_cores=NC,
      num_subcores=NS)
  run = functools.partial(
      pl.kernel,
      out_type=jax.ShapeDtypeStruct((B_TOT, D), jnp.float32),
      mesh=mesh,
      compiler_params=pltpu.CompilerParams(use_tc_tiling_on_sc=False),
      scratch_types=(
          [pltpu.VMEM((NCHUNK, CHUNK), jnp.int32)]
          + [pltpu.VMEM((CHUNK, D), jnp.float32) for _ in range(NBUF)]
          + [pltpu.SemaphoreType.DMA for _ in range(NBUF)]
      ),
  )(_gather_body)
  flat = run(x_flat, table)

  o2 = flat.reshape(B_TOT // 2, 2 * D)
  o3 = pl.pallas_call(
      _pane_body,
      out_shape=jax.ShapeDtypeStruct((HIST, D, BATCH), jnp.float32),
      grid=(BATCH // BB,),
      in_specs=[pl.BlockSpec((BB * HIST // 2, 2 * D), lambda bb: (bb, 0))],
      out_specs=pl.BlockSpec((HIST, D, BB), lambda bb: (0, 0, bb)),
  )(o2)
  return o3


def kernel(x, table):
  x_flat = x.reshape(NW, NCHUNK, CHUNK).astype(jnp.int32)
  out3 = _embed(x_flat, table)
  return out3.transpose(2, 0, 1)

# --- scband reference (transcript-rebuilt; emitter-appended) ---
"""Pipeline reference for scband-embed-19722489823489 (READ-ONLY COPY).

The authoritative reference and input builder live on the scoring server;
editing this copy changes nothing except your own understanding.
"""

import jax, jax.numpy as jnp
import numpy as np

VOCAB = 1000000
EMBED_DIM = 64
BATCH = 4096
HIST = 200

def setup_inputs(seed: int = 0) -> dict:
    key = jax.random.key(seed)
    k_idx, k_tab = jax.random.split(key)
    x = jax.random.randint(k_idx, (BATCH, HIST), 0, VOCAB, dtype=jnp.int64 if jax.config.jax_enable_x64 else jnp.int32)
    table = jax.random.normal(k_tab, (VOCAB, EMBED_DIM), dtype=jnp.float32)
    return {"x": x, "table": table}

def reference(x, table):
    # nn.Embedding forward: row gather from the embedding table
    return jnp.take(table, x, axis=0)

if __name__ == "__main__":
    import jax
    _d = setup_inputs()
    print(jax.jit(kernel)(*tuple(_d.values())))

</pallas_src>

<mosaic_0001>
#map = affine_map<(d0, d1) -> (0, 0, 0)>
#map1 = affine_map<(d0, d1) -> (0, 0)>
module attributes {stable_mosaic.version = 14 : i64} {
  func.func @_gather_body(%arg0: i32, %arg1: i32, %arg2: memref<32x100x256xi32, #tpu.memory_space<hbm>>, %arg3: memref<1000000x64xf32, #tpu.memory_space<hbm>>, %arg4: memref<819200x64xf32, #tpu.memory_space<hbm>>, %arg5: memref<100x256xi32, #tpu.memory_space<vmem>>, %arg6: memref<256x64xf32, #tpu.memory_space<vmem>>, %arg7: memref<256x64xf32, #tpu.memory_space<vmem>>, %arg8: memref<256x64xf32, #tpu.memory_space<vmem>>, %arg9: memref<256x64xf32, #tpu.memory_space<vmem>>, %arg10: memref<!tpu.dma_semaphore, #tpu.memory_space<semaphore_mem>>, %arg11: memref<!tpu.dma_semaphore, #tpu.memory_space<semaphore_mem>>, %arg12: memref<!tpu.dma_semaphore, #tpu.memory_space<semaphore_mem>>, %arg13: memref<!tpu.dma_semaphore, #tpu.memory_space<semaphore_mem>>) attributes {dimension_semantics = [#tpu.dimension_semantics<core_parallel>, #tpu.dimension_semantics<subcore_parallel>], iteration_bounds = array<i64: 2, 16>, scalar_prefetch = 0 : i64, scratch_operands = 9 : i64, tpu.core_type = #tpu.core_type<sc_vector_subcore>, window_params = [{transform_indices = #map}, {transform_indices = #map1}, {transform_indices = #map1}]} {
    %mul3A = arith.constant 2 : i32
    %mul3A_0 = arith.muli %arg1, %mul3A : i32
    %add3A = arith.addi %mul3A_0, %arg0 : i32
    "tpu.region"() ({
      %run_scoped3A = tpu.sem_alloc : memref<!tpu.dma_semaphore, #tpu.memory_space<semaphore_mem>>
      %dma_start3A_69 = arith.constant 0 : i32
      %dma_start3A_70 = arith.constant 0 : i32
      %dma_start3A_71 = tpu.memref_slice %arg2[%add3A, %dma_start3A_69, %dma_start3A_70] : memref<32x100x256xi32, #tpu.memory_space<hbm>> -> memref<1x100x256xi32, #tpu.memory_space<hbm>>
      %dma_start3A_72 = tpu.memref_squeeze %dma_start3A_71 : memref<1x100x256xi32, #tpu.memory_space<hbm>> -> memref<100x256xi32, #tpu.memory_space<hbm>>
      %dma_start3A_73 = arith.constant 0 : i32
      %dma_start3A_74 = arith.constant 0 : i32
      %dma_start3A_75 = tpu.memref_slice %arg2[%add3A, %dma_start3A_73, %dma_start3A_74] : memref<32x100x256xi32, #tpu.memory_space<hbm>> -> memref<1x100x256xi32, #tpu.memory_space<hbm>>
      %dma_start3A_76 = tpu.memref_squeeze %dma_start3A_75 : memref<1x100x256xi32, #tpu.memory_space<hbm>> -> memref<100x256xi32, #tpu.memory_space<hbm>>
      tpu.enqueue_dma source(%dma_start3A_76 : memref<100x256xi32, #tpu.memory_space<hbm>>) target(%arg5 : memref<100x256xi32, #tpu.memory_space<vmem>>) target_semaphore(%run_scoped3A : memref<!tpu.dma_semaphore, #tpu.memory_space<semaphore_mem>>)
      %dma_wait3A_77 = arith.constant 0 : i32
      %dma_wait3A_78 = arith.constant 0 : i32
      %dma_wait3A_79 = tpu.memref_slice %arg2[%add3A, %dma_wait3A_77, %dma_wait3A_78] : memref<32x100x256xi32, #tpu.memory_space<hbm>> -> memref<1x100x256xi32, #tpu.memory_space<hbm>>
      %dma_wait3A_80 = tpu.memref_squeeze %dma_wait3A_79 : memref<1x100x256xi32, #tpu.memory_space<hbm>> -> memref<100x256xi32, #tpu.memory_space<hbm>>
      %dma_wait3A_81 = arith.constant 0 : i32
      %dma_wait3A_82 = arith.constant 0 : i32
      %dma_wait3A_83 = tpu.memref_slice %arg2[%add3A, %dma_wait3A_81, %dma_wait3A_82] : memref<32x100x256xi32, #tpu.memory_space<hbm>> -> memref<1x100x256xi32, #tpu.memory_space<hbm>>
      %dma_wait3A_84 = tpu.memref_squeeze %dma_wait3A_83 : memref<1x100x256xi32, #tpu.memory_space<hbm>> -> memref<100x256xi32, #tpu.memory_space<hbm>>
      tpu.wait_dma2 semaphore(%run_scoped3A : memref<!tpu.dma_semaphore, #tpu.memory_space<semaphore_mem>>) src(%dma_wait3A_84 : memref<100x256xi32, #tpu.memory_space<hbm>>) dst(%arg5 : memref<100x256xi32, #tpu.memory_space<vmem>>)
      tpu.yield
    }) : () -> ()
    %mul3A_1 = arith.constant 25600 : i32
    %mul3A_2 = arith.muli %add3A, %mul3A_1 : i32
    %dma_start3A = arith.constant 0 : i32
    %dma_start3A_3 = arith.constant 0 : i32
    %dma_start3A_4 = tpu.memref_slice %arg5[%dma_start3A, %dma_start3A_3] : memref<100x256xi32, #tpu.memory_space<vmem>> -> memref<1x256xi32, #tpu.memory_space<vmem>>
    %dma_start3A_5 = tpu.memref_squeeze %dma_start3A_4 : memref<1x256xi32, #tpu.memory_space<vmem>> -> memref<256xi32, #tpu.memory_space<vmem>>
    %dma_start3A_6 = arith.constant 0 : i32
    %dma_start3A_7 = arith.constant 0 : i32
    %dma_start3A_8 = tpu.memref_slice %arg3[%dma_start3A_6, %dma_start3A_7] : memref<1000000x64xf32, #tpu.memory_space<hbm>> -> memref<1000000x64xf32, #tpu.memory_space<hbm>>
    tpu.enqueue_indirect_dma source(%dma_start3A_8 : memref<1000000x64xf32, #tpu.memory_space<hbm>>) target(%arg6 : memref<256x64xf32, #tpu.memory_space<vmem>>) offsets(%dma_start3A_5 : memref<256xi32, #tpu.memory_space<vmem>>) semaphore(%arg10 : memref<!tpu.dma_semaphore, #tpu.memory_space<semaphore_mem>>)
    %dma_start3A_9 = arith.constant 1 : i32
    %dma_start3A_10 = arith.constant 0 : i32
    %dma_start3A_11 = tpu.memref_slice %arg5[%dma_start3A_9, %dma_start3A_10] : memref<100x256xi32, #tpu.memory_space<vmem>> -> memref<1x256xi32, #tpu.memory_space<vmem>>
    %dma_start3A_12 = tpu.memref_squeeze %dma_start3A_11 : memref<1x256xi32, #tpu.memory_space<vmem>> -> memref<256xi32, #tpu.memory_space<vmem>>
    %dma_start3A_13 = arith.constant 0 : i32
    %dma_start3A_14 = arith.constant 0 : i32
    %dma_start3A_15 = tpu.memref_slice %arg3[%dma_start3A_13, %dma_start3A_14] : memref<1000000x64xf32, #tpu.memory_space<hbm>> -> memref<1000000x64xf32, #tpu.memory_space<hbm>>
    tpu.enqueue_indirect_dma source(%dma_start3A_15 : memref<1000000x64xf32, #tpu.memory_space<hbm>>) target(%arg7 : memref<256x64xf32, #tpu.memory_space<vmem>>) offsets(%dma_start3A_12 : memref<256xi32, #tpu.memory_space<vmem>>) semaphore(%arg11 : memref<!tpu.dma_semaphore, #tpu.memory_space<semaphore_mem>>)
    %dma_start3A_16 = arith.constant 2 : i32
    %dma_start3A_17 = arith.constant 0 : i32
    %dma_start3A_18 = tpu.memref_slice %arg5[%dma_start3A_16, %dma_start3A_17] : memref<100x256xi32, #tpu.memory_space<vmem>> -> memref<1x256xi32, #tpu.memory_space<vmem>>
    %dma_start3A_19 = tpu.memref_squeeze %dma_start3A_18 : memref<1x256xi32, #tpu.memory_space<vmem>> -> memref<256xi32, #tpu.memory_space<vmem>>
    %dma_start3A_20 = arith.constant 0 : i32
    %dma_start3A_21 = arith.constant 0 : i32
    %dma_start3A_22 = tpu.memref_slice %arg3[%dma_start3A_20, %dma_start3A_21] : memref<1000000x64xf32, #tpu.memory_space<hbm>> -> memref<1000000x64xf32, #tpu.memory_space<hbm>>
    tpu.enqueue_indirect_dma source(%dma_start3A_22 : memref<1000000x64xf32, #tpu.memory_space<hbm>>) target(%arg8 : memref<256x64xf32, #tpu.memory_space<vmem>>) offsets(%dma_start3A_19 : memref<256xi32, #tpu.memory_space<vmem>>) semaphore(%arg12 : memref<!tpu.dma_semaphore, #tpu.memory_space<semaphore_mem>>)
    %dma_start3A_23 = arith.constant 3 : i32
    %dma_start3A_24 = arith.constant 0 : i32
    %dma_start3A_25 = tpu.memref_slice %arg5[%dma_start3A_23, %dma_start3A_24] : memref<100x256xi32, #tpu.memory_space<vmem>> -> memref<1x256xi32, #tpu.memory_space<vmem>>
    %dma_start3A_26 = tpu.memref_squeeze %dma_start3A_25 : memref<1x256xi32, #tpu.memory_space<vmem>> -> memref<256xi32, #tpu.memory_space<vmem>>
    %dma_start3A_27 = arith.constant 0 : i32
    %dma_start3A_28 = arith.constant 0 : i32
    %dma_start3A_29 = tpu.memref_slice %arg3[%dma_start3A_27, %dma_start3A_28] : memref<1000000x64xf32, #tpu.memory_space<hbm>> -> memref<1000000x64xf32, #tpu.memory_space<hbm>>
    tpu.enqueue_indirect_dma source(%dma_start3A_29 : memref<1000000x64xf32, #tpu.memory_space<hbm>>) target(%arg9 : memref<256x64xf32, #tpu.memory_space<vmem>>) offsets(%dma_start3A_26 : memref<256xi32, #tpu.memory_space<vmem>>) semaphore(%arg13 : memref<!tpu.dma_semaphore, #tpu.memory_space<semaphore_mem>>)
    %scan3A = arith.constant 0 : i32
    %scan3A_30 = arith.constant 24 : i32
    %scan3A_31 = arith.addi %scan3A, %scan3A_30 : i32
    %scan3A_32 = arith.constant 1 : i32
    scf.for %scan3A_69 = %scan3A to %scan3A_31 step %scan3A_32  : i32 {
      %mul3A_70 = arith.constant 4 : i32
      %mul3A_71 = arith.muli %scan3A_69, %mul3A_70 : i32
      %add3A_72 = arith.constant 0 : i32
      %add3A_73 = arith.addi %add3A_72, %mul3A_71 : i32
      %add3A_74 = arith.constant 0 : i32
      %add3A_75 = arith.addi %add3A_73, %add3A_74 : i32
      %dma_wait3A_76 = arith.constant 0 : i32
      %dma_wait3A_77 = arith.constant 0 : i32
      %dma_wait3A_78 = tpu.memref_slice %arg5[%dma_wait3A_76, %dma_wait3A_77] : memref<100x256xi32, #tpu.memory_space<vmem>> -> memref<1x256xi32, #tpu.memory_space<vmem>>
      %dma_wait3A_79 = tpu.memref_squeeze %dma_wait3A_78 : memref<1x256xi32, #tpu.memory_space<vmem>> -> memref<256xi32, #tpu.memory_space<vmem>>
      %dma_wait3A_80 = arith.constant 0 : i32
      %dma_wait3A_81 = arith.constant 0 : i32
      %dma_wait3A_82 = tpu.memref_slice %arg3[%dma_wait3A_80, %dma_wait3A_81] : memref<1000000x64xf32, #tpu.memory_space<hbm>> -> memref<1000000x64xf32, #tpu.memory_space<hbm>>
      tpu.wait_indirect_dma semaphore(%arg10 : memref<!tpu.dma_semaphore, #tpu.memory_space<semaphore_mem>>) src(%dma_wait3A_82 : memref<1000000x64xf32, #tpu.memory_space<hbm>>) dst(%arg6 : memref<256x64xf32, #tpu.memory_space<vmem>>)
      %mul3A_83 = arith.constant 256 : i32
      %mul3A_84 = arith.muli %add3A_75, %mul3A_83 : i32
      %add3A_85 = arith.addi %mul3A_2, %mul3A_84 : i32
      "tpu.region"() ({
        %run_scoped3A = tpu.sem_alloc : memref<!tpu.dma_semaphore, #tpu.memory_space<semaphore_mem>>
        %dma_start3A_154 = arith.constant 0 : i32
        %dma_start3A_155 = tpu.memref_slice %arg4[%add3A_85, %dma_start3A_154] : memref<819200x64xf32, #tpu.memory_space<hbm>> -> memref<256x64xf32, #tpu.memory_space<hbm>>
        %dma_start3A_156 = arith.constant 0 : i32
        %dma_start3A_157 = tpu.memref_slice %arg4[%add3A_85, %dma_start3A_156] : memref<819200x64xf32, #tpu.memory_space<hbm>> -> memref<256x64xf32, #tpu.memory_space<hbm>>
        tpu.enqueue_dma source(%arg6 : memref<256x64xf32, #tpu.memory_space<vmem>>) target(%dma_start3A_157 : memref<256x64xf32, #tpu.memory_space<hbm>>) target_semaphore(%run_scoped3A : memref<!tpu.dma_semaphore, #tpu.memory_space<semaphore_mem>>)
        %dma_wait3A_158 = arith.constant 0 : i32
        %dma_wait3A_159 = tpu.memref_slice %arg4[%add3A_85, %dma_wait3A_158] : memref<819200x64xf32, #tpu.memory_space<hbm>> -> memref<256x64xf32, #tpu.memory_space<hbm>>
        %dma_wait3A_160 = arith.constant 0 : i32
        %dma_wait3A_161 = tpu.memref_slice %arg4[%add3A_85, %dma_wait3A_160] : memref<819200x64xf32, #tpu.memory_space<hbm>> -> memref<256x64xf32, #tpu.memory_space<hbm>>
        tpu.wait_dma2 semaphore(%run_scoped3A : memref<!tpu.dma_semaphore, #tpu.memory_space<semaphore_mem>>) src(%arg6 : memref<256x64xf32, #tpu.memory_space<vmem>>) dst(%dma_wait3A_161 : memref<256x64xf32, #tpu.memory_space<hbm>>)
        tpu.yield
      }) : () -> ()
      %add3A_86 = arith.constant 4 : i32
      %add3A_87 = arith.addi %add3A_75, %add3A_86 : i32
      %dma_start3A_88 = arith.constant 0 : i32
      %dma_start3A_89 = tpu.memref_slice %arg5[%add3A_87, %dma_start3A_88] : memref<100x256xi32, #tpu.memory_space<vmem>> -> memref<1x256xi32, #tpu.memory_space<vmem>>
      %dma_start3A_90 = tpu.memref_squeeze %dma_start3A_89 : memref<1x256xi32, #tpu.memory_space<vmem>> -> memref<256xi32, #tpu.memory_space<vmem>>
      %dma_start3A_91 = arith.constant 0 : i32
      %dma_start3A_92 = arith.constant 0 : i32
      %dma_start3A_93 = tpu.memref_slice %arg3[%dma_start3A_91, %dma_start3A_92] : memref<1000000x64xf32, #tpu.memory_space<hbm>> -> memref<1000000x64xf32, #tpu.memory_space<hbm>>
      tpu.enqueue_indirect_dma source(%dma_start3A_93 : memref<1000000x64xf32, #tpu.memory_space<hbm>>) target(%arg6 : memref<256x64xf32, #tpu.memory_space<vmem>>) offsets(%dma_start3A_90 : memref<256xi32, #tpu.memory_space<vmem>>) semaphore(%arg10 : memref<!tpu.dma_semaphore, #tpu.memory_space<semaphore_mem>>)
      %add3A_94 = arith.constant 1 : i32
      %add3A_95 = arith.addi %add3A_73, %add3A_94 : i32
      %dma_wait3A_96 = arith.constant 0 : i32
      %dma_wait3A_97 = arith.constant 0 : i32
      %dma_wait3A_98 = tpu.memref_slice %arg5[%dma_wait3A_96, %dma_wait3A_97] : memref<100x256xi32, #tpu.memory_space<vmem>> -> memref<1x256xi32, #tpu.memory_space<vmem>>
      %dma_wait3A_99 = tpu.memref_squeeze %dma_wait3A_98 : memref<1x256xi32, #tpu.memory_space<vmem>> -> memref<256xi32, #tpu.memory_space<vmem>>
      %dma_wait3A_100 = arith.constant 0 : i32
      %dma_wait3A_101 = arith.constant 0 : i32
      %dma_wait3A_102 = tpu.memref_slice %arg3[%dma_wait3A_100, %dma_wait3A_101] : memref<1000000x64xf32, #tpu.memory_space<hbm>> -> memref<1000000x64xf32, #tpu.memory_space<hbm>>
      tpu.wait_indirect_dma semaphore(%arg11 : memref<!tpu.dma_semaphore, #tpu.memory_space<semaphore_mem>>) src(%dma_wait3A_102 : memref<1000000x64xf32, #tpu.memory_space<hbm>>) dst(%arg7 : memref<256x64xf32, #tpu.memory_space<vmem>>)
      %mul3A_103 = arith.constant 256 : i32
      %mul3A_104 = arith.muli %add3A_95, %mul3A_103 : i32
      %add3A_105 = arith.addi %mul3A_2, %mul3A_104 : i32
      "tpu.region"() ({
        %run_scoped3A = tpu.sem_alloc : memref<!tpu.dma_semaphore, #tpu.memory_space<semaphore_mem>>
        %dma_start3A_154 = arith.constant 0 : i32
        %dma_start3A_155 = tpu.memref_slice %arg4[%add3A_105, %dma_start3A_154] : memref<819200x64xf32, #tpu.memory_space<hbm>> -> memref<256x64xf32, #tpu.memory_space<hbm>>
        %dma_start3A_156 = arith.constant 0 : i32
        %dma_start3A_157 = tpu.memref_slice %arg4[%add3A_105, %dma_start3A_156] : memref<819200x64xf32, #tpu.memory_space<hbm>> -> memref<256x64xf32, #tpu.memory_space<hbm>>
        tpu.enqueue_dma source(%arg7 : memref<256x64xf32, #tpu.memory_space<vmem>>) target(%dma_start3A_157 : memref<256x64xf32, #tpu.memory_space<hbm>>) target_semaphore(%run_scoped3A : memref<!tpu.dma_semaphore, #tpu.memory_space<semaphore_mem>>)
        %dma_wait3A_158 = arith.constant 0 : i32
        %dma_wait3A_159 = tpu.memref_slice %arg4[%add3A_105, %dma_wait3A_158] : memref<819200x64xf32, #tpu.memory_space<hbm>> -> memref<256x64xf32, #tpu.memory_space<hbm>>
        %dma_wait3A_160 = arith.constant 0 : i32
        %dma_wait3A_161 = tpu.memref_slice %arg4[%add3A_105, %dma_wait3A_160] : memref<819200x64xf32, #tpu.memory_space<hbm>> -> memref<256x64xf32, #tpu.memory_space<hbm>>
        tpu.wait_dma2 semaphore(%run_scoped3A : memref<!tpu.dma_semaphore, #tpu.memory_space<semaphore_mem>>) src(%arg7 : memref<256x64xf32, #tpu.memory_space<vmem>>) dst(%dma_wait3A_161 : memref<256x64xf32, #tpu.memory_space<hbm>>)
        tpu.yield
      }) : () -> ()
      %add3A_106 = arith.constant 4 : i32
      %add3A_107 = arith.addi %add3A_95, %add3A_106 : i32
      %dma_start3A_108 = arith.constant 0 : i32
      %dma_start3A_109 = tpu.memref_slice %arg5[%add3A_107, %dma_start3A_108] : memref<100x256xi32, #tpu.memory_space<vmem>> -> memref<1x256xi32, #tpu.memory_space<vmem>>
      %dma_start3A_110 = tpu.memref_squeeze %dma_start3A_109 : memref<1x256xi32, #tpu.memory_space<vmem>> -> memref<256xi32, #tpu.memory_space<vmem>>
      %dma_start3A_111 = arith.constant 0 : i32
      %dma_start3A_112 = arith.constant 0 : i32
      %dma_start3A_113 = tpu.memref_slice %arg3[%dma_start3A_111, %dma_start3A_112] : memref<1000000x64xf32, #tpu.memory_space<hbm>> -> memref<1000000x64xf32, #tpu.memory_space<hbm>>
      tpu.enqueue_indirect_dma source(%dma_start3A_113 : memref<1000000x64xf32, #tpu.memory_space<hbm>>) target(%arg7 : memref<256x64xf32, #tpu.memory_space<vmem>>) offsets(%dma_start3A_110 : memref<256xi32, #tpu.memory_space<vmem>>) semaphore(%arg11 : memref<!tpu.dma_semaphore, #tpu.memory_space<semaphore_mem>>)
      %add3A_114 = arith.constant 2 : i32
      %add3A_115 = arith.addi %add3A_73, %add3A_114 : i32
      %dma_wait3A_116 = arith.constant 0 : i32
      %dma_wait3A_117 = arith.constant 0 : i32
      %dma_wait3A_118 = tpu.memref_slice %arg5[%dma_wait3A_116, %dma_wait3A_117] : memref<100x256xi32, #tpu.memory_space<vmem>> -> memref<1x256xi32, #tpu.memory_space<vmem>>
      %dma_wait3A_119 = tpu.memref_squeeze %dma_wait3A_118 : memref<1x256xi32, #tpu.memory_space<vmem>> -> memref<256xi32, #tpu.memory_space<vmem>>
      %dma_wait3A_120 = arith.constant 0 : i32
      %dma_wait3A_121 = arith.constant 0 : i32
      %dma_wait3A_122 = tpu.memref_slice %arg3[%dma_wait3A_120, %dma_wait3A_121] : memref<1000000x64xf32, #tpu.memory_space<hbm>> -> memref<1000000x64xf32, #tpu.memory_space<hbm>>
      tpu.wait_indirect_dma semaphore(%arg12 : memref<!tpu.dma_semaphore, #tpu.memory_space<semaphore_mem>>) src(%dma_wait3A_122 : memref<1000000x64xf32, #tpu.memory_space<hbm>>) dst(%arg8 : memref<256x64xf32, #tpu.memory_space<vmem>>)
      %mul3A_123 = arith.constant 256 : i32
      %mul3A_124 = arith.muli %add3A_115, %mul3A_123 : i32
      %add3A_125 = arith.addi %mul3A_2, %mul3A_124 : i32
      "tpu.region"() ({
        %run_scoped3A = tpu.sem_alloc : memref<!tpu.dma_semaphore, #tpu.memory_space<semaphore_mem>>
        %dma_start3A_154 = arith.constant 0 : i32
        %dma_start3A_155 = tpu.memref_slice %arg4[%add3A_125, %dma_start3A_154] : memref<819200x64xf32, #tpu.memory_space<hbm>> -> memref<256x64xf32, #tpu.memory_space<hbm>>
        %dma_start3A_156 = arith.constant 0 : i32
        %dma_start3A_157 = tpu.memref_slice %arg4[%add3A_125, %dma_start3A_156] : memref<819200x64xf32, #tpu.memory_space<hbm>> -> memref<256x64xf32, #tpu.memory_space<hbm>>
        tpu.enqueue_dma source(%arg8 : memref<256x64xf32, #tpu.memory_space<vmem>>) target(%dma_start3A_157 : memref<256x64xf32, #tpu.memory_space<hbm>>) target_semaphore(%run_scoped3A : memref<!tpu.dma_semaphore, #tpu.memory_space<semaphore_mem>>)
        %dma_wait3A_158 = arith.constant 0 : i32
        %dma_wait3A_159 = tpu.memref_slice %arg4[%add3A_125, %dma_wait3A_158] : memref<819200x64xf32, #tpu.memory_space<hbm>> -> memref<256x64xf32, #tpu.memory_space<hbm>>
        %dma_wait3A_160 = arith.constant 0 : i32
        %dma_wait3A_161 = tpu.memref_slice %arg4[%add3A_125, %dma_wait3A_160] : memref<819200x64xf32, #tpu.memory_space<hbm>> -> memref<256x64xf32, #tpu.memory_space<hbm>>
        tpu.wait_dma2 semaphore(%run_scoped3A : memref<!tpu.dma_semaphore, #tpu.memory_space<semaphore_mem>>) src(%arg8 : memref<256x64xf32, #tpu.memory_space<vmem>>) dst(%dma_wait3A_161 : memref<256x64xf32, #tpu.memory_space<hbm>>)
        tpu.yield
      }) : () -> ()
      %add3A_126 = arith.constant 4 : i32
      %add3A_127 = arith.addi %add3A_115, %add3A_126 : i32
      %dma_start3A_128 = arith.constant 0 : i32
      %dma_start3A_129 = tpu.memref_slice %arg5[%add3A_127, %dma_start3A_128] : memref<100x256xi32, #tpu.memory_space<vmem>> -> memref<1x256xi32, #tpu.memory_space<vmem>>
      %dma_start3A_130 = tpu.memref_squeeze %dma_start3A_129 : memref<1x256xi32, #tpu.memory_space<vmem>> -> memref<256xi32, #tpu.memory_space<vmem>>
      %dma_start3A_131 = arith.constant 0 : i32
      %dma_start3A_132 = arith.constant 0 : i32
      %dma_start3A_133 = tpu.memref_slice %arg3[%dma_start3A_131, %dma_start3A_132] : memref<1000000x64xf32, #tpu.memory_space<hbm>> -> memref<1000000x64xf32, #tpu.memory_space<hbm>>
      tpu.enqueue_indirect_dma source(%dma_start3A_133 : memref<1000000x64xf32, #tpu.memory_space<hbm>>) target(%arg8 : memref<256x64xf32, #tpu.memory_space<vmem>>) offsets(%dma_start3A_130 : memref<256xi32, #tpu.memory_space<vmem>>) semaphore(%arg12 : memref<!tpu.dma_semaphore, #tpu.memory_space<semaphore_mem>>)
      %add3A_134 = arith.constant 3 : i32
      %add3A_135 = arith.addi %add3A_73, %add3A_134 : i32
      %dma_wait3A_136 = arith.constant 0 : i32
      %dma_wait3A_137 = arith.constant 0 : i32
      %dma_wait3A_138 = tpu.memref_slice %arg5[%dma_wait3A_136, %dma_wait3A_137] : memref<100x256xi32, #tpu.memory_space<vmem>> -> memref<1x256xi32, #tpu.memory_space<vmem>>
      %dma_wait3A_139 = tpu.memref_squeeze %dma_wait3A_138 : memref<1x256xi32, #tpu.memory_space<vmem>> -> memref<256xi32, #tpu.memory_space<vmem>>
      %dma_wait3A_140 = arith.constant 0 : i32
      %dma_wait3A_141 = arith.constant 0 : i32
      %dma_wait3A_142 = tpu.memref_slice %arg3[%dma_wait3A_140, %dma_wait3A_141] : memref<1000000x64xf32, #tpu.memory_space<hbm>> -> memref<1000000x64xf32, #tpu.memory_space<hbm>>
      tpu.wait_indirect_dma semaphore(%arg13 : memref<!tpu.dma_semaphore, #tpu.memory_space<semaphore_mem>>) src(%dma_wait3A_142 : memref<1000000x64xf32, #tpu.memory_space<hbm>>) dst(%arg9 : memref<256x64xf32, #tpu.memory_space<vmem>>)
      %mul3A_143 = arith.constant 256 : i32
      %mul3A_144 = arith.muli %add3A_135, %mul3A_143 : i32
      %add3A_145 = arith.addi %mul3A_2, %mul3A_144 : i32
      "tpu.region"() ({
        %run_scoped3A = tpu.sem_alloc : memref<!tpu.dma_semaphore, #tpu.memory_space<semaphore_mem>>
        %dma_start3A_154 = arith.constant 0 : i32
        %dma_start3A_155 = tpu.memref_slice %arg4[%add3A_145, %dma_start3A_154] : memref<819200x64xf32, #tpu.memory_space<hbm>> -> memref<256x64xf32, #tpu.memory_space<hbm>>
        %dma_start3A_156 = arith.constant 0 : i32
        %dma_start3A_157 = tpu.memref_slice %arg4[%add3A_145, %dma_start3A_156] : memref<819200x64xf32, #tpu.memory_space<hbm>> -> memref<256x64xf32, #tpu.memory_space<hbm>>
        tpu.enqueue_dma source(%arg9 : memref<256x64xf32, #tpu.memory_space<vmem>>) target(%dma_start3A_157 : memref<256x64xf32, #tpu.memory_space<hbm>>) target_semaphore(%run_scoped3A : memref<!tpu.dma_semaphore, #tpu.memory_space<semaphore_mem>>)
        %dma_wait3A_158 = arith.constant 0 : i32
        %dma_wait3A_159 = tpu.memref_slice %arg4[%add3A_145, %dma_wait3A_158] : memref<819200x64xf32, #tpu.memory_space<hbm>> -> memref<256x64xf32, #tpu.memory_space<hbm>>
        %dma_wait3A_160 = arith.constant 0 : i32
        %dma_wait3A_161 = tpu.memref_slice %arg4[%add3A_145, %dma_wait3A_160] : memref<819200x64xf32, #tpu.memory_space<hbm>> -> memref<256x64xf32, #tpu.memory_space<hbm>>
        tpu.wait_dma2 semaphore(%run_scoped3A : memref<!tpu.dma_semaphore, #tpu.memory_space<semaphore_mem>>) src(%arg9 : memref<256x64xf32, #tpu.memory_space<vmem>>) dst(%dma_wait3A_161 : memref<256x64xf32, #tpu.memory_space<hbm>>)
        tpu.yield
      }) : () -> ()
      %add3A_146 = arith.constant 4 : i32
      %add3A_147 = arith.addi %add3A_135, %add3A_146 : i32
      %dma_start3A_148 = arith.constant 0 : i32
      %dma_start3A_149 = tpu.memref_slice %arg5[%add3A_147, %dma_start3A_148] : memref<100x256xi32, #tpu.memory_space<vmem>> -> memref<1x256xi32, #tpu.memory_space<vmem>>
      %dma_start3A_150 = tpu.memref_squeeze %dma_start3A_149 : memref<1x256xi32, #tpu.memory_space<vmem>> -> memref<256xi32, #tpu.memory_space<vmem>>
      %dma_start3A_151 = arith.constant 0 : i32
      %dma_start3A_152 = arith.constant 0 : i32
      %dma_start3A_153 = tpu.memref_slice %arg3[%dma_start3A_151, %dma_start3A_152] : memref<1000000x64xf32, #tpu.memory_space<hbm>> -> memref<1000000x64xf32, #tpu.memory_space<hbm>>
      tpu.enqueue_indirect_dma source(%dma_start3A_153 : memref<1000000x64xf32, #tpu.memory_space<hbm>>) target(%arg9 : memref<256x64xf32, #tpu.memory_space<vmem>>) offsets(%dma_start3A_150 : memref<256xi32, #tpu.memory_space<vmem>>) semaphore(%arg13 : memref<!tpu.dma_semaphore, #tpu.memory_space<semaphore_mem>>)
    }
    %scan3A_33 = arith.constant 24 : i32
    %dma_wait3A = arith.constant 0 : i32
    %dma_wait3A_34 = arith.constant 0 : i32
    %dma_wait3A_35 = tpu.memref_slice %arg5[%dma_wait3A, %dma_wait3A_34] : memref<100x256xi32, #tpu.memory_space<vmem>> -> memref<1x256xi32, #tpu.memory_space<vmem>>
    %dma_wait3A_36 = tpu.memref_squeeze %dma_wait3A_35 : memref<1x256xi32, #tpu.memory_space<vmem>> -> memref<256xi32, #tpu.memory_space<vmem>>
    %dma_wait3A_37 = arith.constant 0 : i32
    %dma_wait3A_38 = arith.constant 0 : i32
    %dma_wait3A_39 = tpu.memref_slice %arg3[%dma_wait3A_37, %dma_wait3A_38] : memref<1000000x64xf32, #tpu.memory_space<hbm>> -> memref<1000000x64xf32, #tpu.memory_space<hbm>>
    tpu.wait_indirect_dma semaphore(%arg10 : memref<!tpu.dma_semaphore, #tpu.memory_space<semaphore_mem>>) src(%dma_wait3A_39 : memref<1000000x64xf32, #tpu.memory_space<hbm>>) dst(%arg6 : memref<256x64xf32, #tpu.memory_space<vmem>>)
    %add3A_40 = arith.constant 24576 : i32
    %add3A_41 = arith.addi %mul3A_2, %add3A_40 : i32
    "tpu.region"() ({
      %run_scoped3A = tpu.sem_alloc : memref<!tpu.dma_semaphore, #tpu.memory_space<semaphore_mem>>
      %dma_start3A_69 = arith.constant 0 : i32
      %dma_start3A_70 = tpu.memref_slice %arg4[%add3A_41, %dma_start3A_69] : memref<819200x64xf32, #tpu.memory_space<hbm>> -> memref<256x64xf32, #tpu.memory_space<hbm>>
      %dma_start3A_71 = arith.constant 0 : i32
      %dma_start3A_72 = tpu.memref_slice %arg4[%add3A_41, %dma_start3A_71] : memref<819200x64xf32, #tpu.memory_space<hbm>> -> memref<256x64xf32, #tpu.memory_space<hbm>>
      tpu.enqueue_dma source(%arg6 : memref<256x64xf32, #tpu.memory_space<vmem>>) target(%dma_start3A_72 : memref<256x64xf32, #tpu.memory_space<hbm>>) target_semaphore(%run_scoped3A : memref<!tpu.dma_semaphore, #tpu.memory_space<semaphore_mem>>)
      %dma_wait3A_73 = arith.constant 0 : i32
      %dma_wait3A_74 = tpu.memref_slice %arg4[%add3A_41, %dma_wait3A_73] : memref<819200x64xf32, #tpu.memory_space<hbm>> -> memref<256x64xf32, #tpu.memory_space<hbm>>
      %dma_wait3A_75 = arith.constant 0 : i32
      %dma_wait3A_76 = tpu.memref_slice %arg4[%add3A_41, %dma_wait3A_75] : memref<819200x64xf32, #tpu.memory_space<hbm>> -> memref<256x64xf32, #tpu.memory_space<hbm>>
      tpu.wait_dma2 semaphore(%run_scoped3A : memref<!tpu.dma_semaphore, #tpu.memory_space<semaphore_mem>>) src(%arg6 : memref<256x64xf32, #tpu.memory_space<vmem>>) dst(%dma_wait3A_76 : memref<256x64xf32, #tpu.memory_space<hbm>>)
      tpu.yield
    }) : () -> ()
    %dma_wait3A_42 = arith.constant 0 : i32
    %dma_wait3A_43 = arith.constant 0 : i32
    %dma_wait3A_44 = tpu.memref_slice %arg5[%dma_wait3A_42, %dma_wait3A_43] : memref<100x256xi32, #tpu.memory_space<vmem>> -> memref<1x256xi32, #tpu.memory_space<vmem>>
    %dma_wait3A_45 = tpu.memref_squeeze %dma_wait3A_44 : memref<1x256xi32, #tpu.memory_space<vmem>> -> memref<256xi32, #tpu.memory_space<vmem>>
    %dma_wait3A_46 = arith.constant 0 : i32
    %dma_wait3A_47 = arith.constant 0 : i32
    %dma_wait3A_48 = tpu.memref_slice %arg3[%dma_wait3A_46, %dma_wait3A_47] : memref<1000000x64xf32, #tpu.memory_space<hbm>> -> memref<1000000x64xf32, #tpu.memory_space<hbm>>
    tpu.wait_indirect_dma semaphore(%arg11 : memref<!tpu.dma_semaphore, #tpu.memory_space<semaphore_mem>>) src(%dma_wait3A_48 : memref<1000000x64xf32, #tpu.memory_space<hbm>>) dst(%arg7 : memref<256x64xf32, #tpu.memory_space<vmem>>)
    %add3A_49 = arith.constant 24832 : i32
    %add3A_50 = arith.addi %mul3A_2, %add3A_49 : i32
    "tpu.region"() ({
      %run_scoped3A = tpu.sem_alloc : memref<!tpu.dma_semaphore, #tpu.memory_space<semaphore_mem>>
      %dma_start3A_69 = arith.constant 0 : i32
      %dma_start3A_70 = tpu.memref_slice %arg4[%add3A_50, %dma_start3A_69] : memref<819200x64xf32, #tpu.memory_space<hbm>> -> memref<256x64xf32, #tpu.memory_space<hbm>>
      %dma_start3A_71 = arith.constant 0 : i32
      %dma_start3A_72 = tpu.memref_slice %arg4[%add3A_50, %dma_start3A_71] : memref<819200x64xf32, #tpu.memory_space<hbm>> -> memref<256x64xf32, #tpu.memory_space<hbm>>
      tpu.enqueue_dma source(%arg7 : memref<256x64xf32, #tpu.memory_space<vmem>>) target(%dma_start3A_72 : memref<256x64xf32, #tpu.memory_space<hbm>>) target_semaphore(%run_scoped3A : memref<!tpu.dma_semaphore, #tpu.memory_space<semaphore_mem>>)
      %dma_wait3A_73 = arith.constant 0 : i32
      %dma_wait3A_74 = tpu.memref_slice %arg4[%add3A_50, %dma_wait3A_73] : memref<819200x64xf32, #tpu.memory_space<hbm>> -> memref<256x64xf32, #tpu.memory_space<hbm>>
      %dma_wait3A_75 = arith.constant 0 : i32
      %dma_wait3A_76 = tpu.memref_slice %arg4[%add3A_50, %dma_wait3A_75] : memref<819200x64xf32, #tpu.memory_space<hbm>> -> memref<256x64xf32, #tpu.memory_space<hbm>>
      tpu.wait_dma2 semaphore(%run_scoped3A : memref<!tpu.dma_semaphore, #tpu.memory_space<semaphore_mem>>) src(%arg7 : memref<256x64xf32, #tpu.memory_space<vmem>>) dst(%dma_wait3A_76 : memref<256x64xf32, #tpu.memory_space<hbm>>)
      tpu.yield
    }) : () -> ()
    %dma_wait3A_51 = arith.constant 0 : i32
    %dma_wait3A_52 = arith.constant 0 : i32
    %dma_wait3A_53 = tpu.memref_slice %arg5[%dma_wait3A_51, %dma_wait3A_52] : memref<100x256xi32, #tpu.memory_space<vmem>> -> memref<1x256xi32, #tpu.memory_space<vmem>>
    %dma_wait3A_54 = tpu.memref_squeeze %dma_wait3A_53 : memref<1x256xi32, #tpu.memory_space<vmem>> -> memref<256xi32, #tpu.memory_space<vmem>>
    %dma_wait3A_55 = arith.constant 0 : i32
    %dma_wait3A_56 = arith.constant 0 : i32
    %dma_wait3A_57 = tpu.memref_slice %arg3[%dma_wait3A_55, %dma_wait3A_56] : memref<1000000x64xf32, #tpu.memory_space<hbm>> -> memref<1000000x64xf32, #tpu.memory_space<hbm>>
    tpu.wait_indirect_dma semaphore(%arg12 : memref<!tpu.dma_semaphore, #tpu.memory_space<semaphore_mem>>) src(%dma_wait3A_57 : memref<1000000x64xf32, #tpu.memory_space<hbm>>) dst(%arg8 : memref<256x64xf32, #tpu.memory_space<vmem>>)
    %add3A_58 = arith.constant 25088 : i32
    %add3A_59 = arith.addi %mul3A_2, %add3A_58 : i32
    "tpu.region"() ({
      %run_scoped3A = tpu.sem_alloc : memref<!tpu.dma_semaphore, #tpu.memory_space<semaphore_mem>>
      %dma_start3A_69 = arith.constant 0 : i32
      %dma_start3A_70 = tpu.memref_slice %arg4[%add3A_59, %dma_start3A_69] : memref<819200x64xf32, #tpu.memory_space<hbm>> -> memref<256x64xf32, #tpu.memory_space<hbm>>
      %dma_start3A_71 = arith.constant 0 : i32
      %dma_start3A_72 = tpu.memref_slice %arg4[%add3A_59, %dma_start3A_71] : memref<819200x64xf32, #tpu.memory_space<hbm>> -> memref<256x64xf32, #tpu.memory_space<hbm>>
      tpu.enqueue_dma source(%arg8 : memref<256x64xf32, #tpu.memory_space<vmem>>) target(%dma_start3A_72 : memref<256x64xf32, #tpu.memory_space<hbm>>) target_semaphore(%run_scoped3A : memref<!tpu.dma_semaphore, #tpu.memory_space<semaphore_mem>>)
      %dma_wait3A_73 = arith.constant 0 : i32
      %dma_wait3A_74 = tpu.memref_slice %arg4[%add3A_59, %dma_wait3A_73] : memref<819200x64xf32, #tpu.memory_space<hbm>> -> memref<256x64xf32, #tpu.memory_space<hbm>>
      %dma_wait3A_75 = arith.constant 0 : i32
      %dma_wait3A_76 = tpu.memref_slice %arg4[%add3A_59, %dma_wait3A_75] : memref<819200x64xf32, #tpu.memory_space<hbm>> -> memref<256x64xf32, #tpu.memory_space<hbm>>
      tpu.wait_dma2 semaphore(%run_scoped3A : memref<!tpu.dma_semaphore, #tpu.memory_space<semaphore_mem>>) src(%arg8 : memref<256x64xf32, #tpu.memory_space<vmem>>) dst(%dma_wait3A_76 : memref<256x64xf32, #tpu.memory_space<hbm>>)
      tpu.yield
    }) : () -> ()
    %dma_wait3A_60 = arith.constant 0 : i32
    %dma_wait3A_61 = arith.constant 0 : i32
    %dma_wait3A_62 = tpu.memref_slice %arg5[%dma_wait3A_60, %dma_wait3A_61] : memref<100x256xi32, #tpu.memory_space<vmem>> -> memref<1x256xi32, #tpu.memory_space<vmem>>
    %dma_wait3A_63 = tpu.memref_squeeze %dma_wait3A_62 : memref<1x256xi32, #tpu.memory_space<vmem>> -> memref<256xi32, #tpu.memory_space<vmem>>
    %dma_wait3A_64 = arith.constant 0 : i32
    %dma_wait3A_65 = arith.constant 0 : i32
    %dma_wait3A_66 = tpu.memref_slice %arg3[%dma_wait3A_64, %dma_wait3A_65] : memref<1000000x64xf32, #tpu.memory_space<hbm>> -> memref<1000000x64xf32, #tpu.memory_space<hbm>>
    tpu.wait_indirect_dma semaphore(%arg13 : memref<!tpu.dma_semaphore, #tpu.memory_space<semaphore_mem>>) src(%dma_wait3A_66 : memref<1000000x64xf32, #tpu.memory_space<hbm>>) dst(%arg9 : memref<256x64xf32, #tpu.memory_space<vmem>>)
    %add3A_67 = arith.constant 25344 : i32
    %add3A_68 = arith.addi %mul3A_2, %add3A_67 : i32
    "tpu.region"() ({
      %run_scoped3A = tpu.sem_alloc : memref<!tpu.dma_semaphore, #tpu.memory_space<semaphore_mem>>
      %dma_start3A_69 = arith.constant 0 : i32
      %dma_start3A_70 = tpu.memref_slice %arg4[%add3A_68, %dma_start3A_69] : memref<819200x64xf32, #tpu.memory_space<hbm>> -> memref<256x64xf32, #tpu.memory_space<hbm>>
      %dma_start3A_71 = arith.constant 0 : i32
      %dma_start3A_72 = tpu.memref_slice %arg4[%add3A_68, %dma_start3A_71] : memref<819200x64xf32, #tpu.memory_space<hbm>> -> memref<256x64xf32, #tpu.memory_space<hbm>>
      tpu.enqueue_dma source(%arg9 : memref<256x64xf32, #tpu.memory_space<vmem>>) target(%dma_start3A_72 : memref<256x64xf32, #tpu.memory_space<hbm>>) target_semaphore(%run_scoped3A : memref<!tpu.dma_semaphore, #tpu.memory_space<semaphore_mem>>)
      %dma_wait3A_73 = arith.constant 0 : i32
      %dma_wait3A_74 = tpu.memref_slice %arg4[%add3A_68, %dma_wait3A_73] : memref<819200x64xf32, #tpu.memory_space<hbm>> -> memref<256x64xf32, #tpu.memory_space<hbm>>
      %dma_wait3A_75 = arith.constant 0 : i32
      %dma_wait3A_76 = tpu.memref_slice %arg4[%add3A_68, %dma_wait3A_75] : memref<819200x64xf32, #tpu.memory_space<hbm>> -> memref<256x64xf32, #tpu.memory_space<hbm>>
      tpu.wait_dma2 semaphore(%run_scoped3A : memref<!tpu.dma_semaphore, #tpu.memory_space<semaphore_mem>>) src(%arg9 : memref<256x64xf32, #tpu.memory_space<vmem>>) dst(%dma_wait3A_76 : memref<256x64xf32, #tpu.memory_space<hbm>>)
      tpu.yield
    }) : () -> ()
    return
  }
}

module attributes {stable_mosaic.version = 14 : i64} {
  func.func @_pane_body(%arg0: i32, %arg1: memref<12800x128xf32, #tpu.memory_space<vmem>>, %arg2: memref<200x64x128xf32, #tpu.memory_space<vmem>>) attributes {dimension_semantics = [#tpu.dimension_semantics<arbitrary>], iteration_bounds = array<i64: 32>, scalar_prefetch = 0 : i64, scratch_operands = 0 : i64, tpu.core_type = #tpu.core_type<tc>, window_params = [{transform_indices = @transform_0, window_bounds = array<i64: 12800, 128>}, {transform_indices = @transform_1, window_bounds = array<i64: 200, 64, 128>}]} {
    %get3A = arith.constant 0 : index
    %get3A_0 = arith.constant 0 : index
    %get3A_1 = vector.load %arg1[%get3A, %get3A_0] : memref<12800x128xf32, #tpu.memory_space<vmem>>, vector<12800x128xf32>
    %reshape3A = vector.shape_cast %get3A_1 : vector<12800x128xf32> to vector<128x100x128xf32>
    %slice3A = vector.extract_strided_slice %reshape3A {offsets = [0, 0, 0], sizes = [128, 1, 128], strides = [1, 1, 1]} : vector<128x100x128xf32> to vector<128x1x128xf32>
    %squeeze3A = vector.shape_cast %slice3A : vector<128x1x128xf32> to vector<128x128xf32>
    %transpose3A = tpu.transpose %squeeze3A, [1, 0] : vector<128x128xf32> -> vector<128x128xf32>
    %reshape3A_2 = vector.shape_cast %transpose3A : vector<128x128xf32> to vector<2x64x128xf32>
    %swap3A = arith.constant 0 : index
    %swap3A_3 = arith.constant 0 : index
    %swap3A_4 = arith.constant 0 : index
    %swap3A_5 = vector.load %arg2[%swap3A, %swap3A_3, %swap3A_4] : memref<200x64x128xf32, #tpu.memory_space<vmem>>, vector<2x64x128xf32>
    tpu.vector_store %arg2[%swap3A, %swap3A_3, %swap3A_4], %reshape3A_2 {strides = array<i32>} : memref<200x64x128xf32, #tpu.memory_space<vmem>>, vector<2x64x128xf32>,
    %slice3A_6 = vector.extract_strided_slice %reshape3A {offsets = [0, 1, 0], sizes = [128, 1, 128], strides = [1, 1, 1]} : vector<128x100x128xf32> to vector<128x1x128xf32>
    %squeeze3A_7 = vector.shape_cast %slice3A_6 : vector<128x1x128xf32> to vector<128x128xf32>
    %transpose3A_8 = tpu.transpose %squeeze3A_7, [1, 0] : vector<128x128xf32> -> vector<128x128xf32>
    %reshape3A_9 = vector.shape_cast %transpose3A_8 : vector<128x128xf32> to vector<2x64x128xf32>
    %swap3A_10 = arith.constant 2 : index
    %swap3A_11 = arith.constant 0 : index
    %swap3A_12 = arith.constant 0 : index
    %swap3A_13 = vector.load %arg2[%swap3A_10, %swap3A_11, %swap3A_12] : memref<200x64x128xf32, #tpu.memory_space<vmem>>, vector<2x64x128xf32>
    tpu.vector_store %arg2[%swap3A_10, %swap3A_11, %swap3A_12], %reshape3A_9 {strides = array<i32>} : memref<200x64x128xf32, #tpu.memory_space<vmem>>, vector<2x64x128xf32>,
    %slice3A_14 = vector.extract_strided_slice %reshape3A {offsets = [0, 2, 0], sizes = [128, 1, 128], strides = [1, 1, 1]} : vector<128x100x128xf32> to vector<128x1x128xf32>
    %squeeze3A_15 = vector.shape_cast %slice3A_14 : vector<128x1x128xf32> to vector<128x128xf32>
    %transpose3A_16 = tpu.transpose %squeeze3A_15, [1, 0] : vector<128x128xf32> -> vector<128x128xf32>
    %reshape3A_17 = vector.shape_cast %transpose3A_16 : vector<128x128xf32> to vector<2x64x128xf32>
    %swap3A_18 = arith.constant 4 : index
    %swap3A_19 = arith.constant 0 : index
    %swap3A_20 = arith.constant 0 : index
    %swap3A_21 = vector.load %arg2[%swap3A_18, %swap3A_19, %swap3A_20] : memref<200x64x128xf32, #tpu.memory_space<vmem>>, vector<2x64x128xf32>
    tpu.vector_store %arg2[%swap3A_18, %swap3A_19, %swap3A_20], %reshape3A_17 {strides = array<i32>} : memref<200x64x128xf32, #tpu.memory_space<vmem>>, vector<2x64x128xf32>,
    %slice3A_22 = vector.extract_strided_slice %reshape3A {offsets = [0, 3, 0], sizes = [128, 1, 128], strides = [1, 1, 1]} : vector<128x100x128xf32> to vector<128x1x128xf32>
    %squeeze3A_23 = vector.shape_cast %slice3A_22 : vector<128x1x128xf32> to vector<128x128xf32>
    %transpose3A_24 = tpu.transpose %squeeze3A_23, [1, 0] : vector<128x128xf32> -> vector<128x128xf32>
    %reshape3A_25 = vector.shape_cast %transpose3A_24 : vector<128x128xf32> to vector<2x64x128xf32>
    %swap3A_26 = arith.constant 6 : index
    %swap3A_27 = arith.constant 0 : index
    %swap3A_28 = arith.constant 0 : index
    %swap3A_29 = vector.load %arg2[%swap3A_26, %swap3A_27, %swap3A_28] : memref<200x64x128xf32, #tpu.memory_space<vmem>>, vector<2x64x128xf32>
    tpu.vector_store %arg2[%swap3A_26, %swap3A_27, %swap3A_28], %reshape3A_25 {strides = array<i32>} : memref<200x64x128xf32, #tpu.memory_space<vmem>>, vector<2x64x128xf32>,
    %slice3A_30 = vector.extract_strided_slice %reshape3A {offsets = [0, 4, 0], sizes = [128, 1, 128], strides = [1, 1, 1]} : vector<128x100x128xf32> to vector<128x1x128xf32>
    %squeeze3A_31 = vector.shape_cast %slice3A_30 : vector<128x1x128xf32> to vector<128x128xf32>
    %transpose3A_32 = tpu.transpose %squeeze3A_31, [1, 0] : vector<128x128xf32> -> vector<128x128xf32>
    %reshape3A_33 = vector.shape_cast %transpose3A_32 : vector<128x128xf32> to vector<2x64x128xf32>
    %swap3A_34 = arith.constant 8 : index
    %swap3A_35 = arith.constant 0 : index
    %swap3A_36 = arith.constant 0 : index
    %swap3A_37 = vector.load %arg2[%swap3A_34, %swap3A_35, %swap3A_36] : memref<200x64x128xf32, #tpu.memory_space<vmem>>, vector<2x64x128xf32>
    tpu.vector_store %arg2[%swap3A_34, %swap3A_35, %swap3A_36], %reshape3A_33 {strides = array<i32>} : memref<200x64x128xf32, #tpu.memory_space<vmem>>, vector<2x64x128xf32>,
    %slice3A_38 = vector.extract_strided_slice %reshape3A {offsets = [0, 5, 0], sizes = [128, 1, 128], strides = [1, 1, 1]} : vector<128x100x128xf32> to vector<128x1x128xf32>
    %squeeze3A_39 = vector.shape_cast %slice3A_38 : vector<128x1x128xf32> to vector<128x128xf32>
    %transpose3A_40 = tpu.transpose %squeeze3A_39, [1, 0] : vector<128x128xf32> -> vector<128x128xf32>
    %reshape3A_41 = vector.shape_cast %transpose3A_40 : vector<128x128xf32> to vector<2x64x128xf32>
    %swap3A_42 = arith.constant 10 : index
    %swap3A_43 = arith.constant 0 : index
    %swap3A_44 = arith.constant 0 : index
    %swap3A_45 = vector.load %arg2[%swap3A_42, %swap3A_43, %swap3A_44] : memref<200x64x128xf32, #tpu.memory_space<vmem>>, vector<2x64x128xf32>
    tpu.vector_store %arg2[%swap3A_42, %swap3A_43, %swap3A_44], %reshape3A_41 {strides = array<i32>} : memref<200x64x128xf32, #tpu.memory_space<vmem>>, vector<2x64x128xf32>,
    %slice3A_46 = vector.extract_strided_slice %reshape3A {offsets = [0, 6, 0], sizes = [128, 1, 128], strides = [1, 1, 1]} : vector<128x100x128xf32> to vector<128x1x128xf32>
    %squeeze3A_47 = vector.shape_cast %slice3A_46 : vector<128x1x128xf32> to vector<128x128xf32>
    %transpose3A_48 = tpu.transpose %squeeze3A_47, [1, 0] : vector<128x128xf32> -> vector<128x128xf32>
    %reshape3A_49 = vector.shape_cast %transpose3A_48 : vector<128x128xf32> to vector<2x64x128xf32>
    %swap3A_50 = arith.constant 12 : index
    %swap3A_51 = arith.constant 0 : index
    %swap3A_52 = arith.constant 0 : index
    %swap3A_53 = vector.load %arg2[%swap3A_50, %swap3A_51, %swap3A_52] : memref<200x64x128xf32, #tpu.memory_space<vmem>>, vector<2x64x128xf32>
    tpu.vector_store %arg2[%swap3A_50, %swap3A_51, %swap3A_52], %reshape3A_49 {strides = array<i32>} : memref<200x64x128xf32, #tpu.memory_space<vmem>>, vector<2x64x128xf32>,
    %slice3A_54 = vector.extract_strided_slice %reshape3A {offsets = [0, 7, 0], sizes = [128, 1, 128], strides = [1, 1, 1]} : vector<128x100x128xf32> to vector<128x1x128xf32>
    %squeeze3A_55 = vector.shape_cast %slice3A_54 : vector<128x1x128xf32> to vector<128x128xf32>
    %transpose3A_56 = tpu.transpose %squeeze3A_55, [1, 0] : vector<128x128xf32> -> vector<128x128xf32>
    %reshape3A_57 = vector.shape_cast %transpose3A_56 : vector<128x128xf32> to vector<2x64x128xf32>
    %swap3A_58 = arith.constant 14 : index
    %swap3A_59 = arith.constant 0 : index
    %swap3A_60 = arith.constant 0 : index
    %swap3A_61 = vector.load %arg2[%swap3A_58, %swap3A_59, %swap3A_60] : memref<200x64x128xf32, #tpu.memory_space<vmem>>, vector<2x64x128xf32>
    tpu.vector_store %arg2[%swap3A_58, %swap3A_59, %swap3A_60], %reshape3A_57 {strides = array<i32>} : memref<200x64x128xf32, #tpu.memory_space<vmem>>, vector<2x64x128xf32>,
    %slice3A_62 = vector.extract_strided_slice %reshape3A {offsets = [0, 8, 0], sizes = [128, 1, 128], strides = [1, 1, 1]} : vector<128x100x128xf32> to vector<128x1x128xf32>
    %squeeze3A_63 = vector.shape_cast %slice3A_62 : vector<128x1x128xf32> to vector<128x128xf32>
    %transpose3A_64 = tpu.transpose %squeeze3A_63, [1, 0] : vector<128x128xf32> -> vector<128x128xf32>
    %reshape3A_65 = vector.shape_cast %transpose3A_64 : vector<128x128xf32> to vector<2x64x128xf32>
    %swap3A_66 = arith.constant 16 : index
    %swap3A_67 = arith.constant 0 : index
    %swap3A_68 = arith.constant 0 : index
    %swap3A_69 = vector.load %arg2[%swap3A_66, %swap3A_67, %swap3A_68] : memref<200x64x128xf32, #tpu.memory_space<vmem>>, vector<2x64x128xf32>
    tpu.vector_store %arg2[%swap3A_66, %swap3A_67, %swap3A_68], %reshape3A_65 {strides = array<i32>} : memref<200x64x128xf32, #tpu.memory_space<vmem>>, vector<2x64x128xf32>,
    %slice3A_70 = vector.extract_strided_slice %reshape3A {offsets = [0, 9, 0], sizes = [128, 1, 128], strides = [1, 1, 1]} : vector<128x100x128xf32> to vector<128x1x128xf32>
    %squeeze3A_71 = vector.shape_cast %slice3A_70 : vector<128x1x128xf32> to vector<128x128xf32>
    %transpose3A_72 = tpu.transpose %squeeze3A_71, [1, 0] : vector<128x128xf32> -> vector<128x128xf32>
    %reshape3A_73 = vector.shape_cast %transpose3A_72 : vector<128x128xf32> to vector<2x64x128xf32>
    %swap3A_74 = arith.constant 18 : index
    %swap3A_75 = arith.constant 0 : index
    %swap3A_76 = arith.constant 0 : index
    %swap3A_77 = vector.load %arg2[%swap3A_74, %swap3A_75, %swap3A_76] : memref<200x64x128xf32, #tpu.memory_space<vmem>>, vector<2x64x128xf32>
    tpu.vector_store %arg2[%swap3A_74, %swap3A_75, %swap3A_76], %reshape3A_73 {strides = array<i32>} : memref<200x64x128xf32, #tpu.memory_space<vmem>>, vector<2x64x128xf32>,
    %slice3A_78 = vector.extract_strided_slice %reshape3A {offsets = [0, 10, 0], sizes = [128, 1, 128], strides = [1, 1, 1]} : vector<128x100x128xf32> to vector<128x1x128xf32>
    %squeeze3A_79 = vector.shape_cast %slice3A_78 : vector<128x1x128xf32> to vector<128x128xf32>
    %transpose3A_80 = tpu.transpose %squeeze3A_79, [1, 0] : vector<128x128xf32> -> vector<128x128xf32>
    %reshape3A_81 = vector.shape_cast %transpose3A_80 : vector<128x128xf32> to vector<2x64x128xf32>
    %swap3A_82 = arith.constant 20 : index
    %swap3A_83 = arith.constant 0 : index
    %swap3A_84 = arith.constant 0 : index
    %swap3A_85 = vector.load %arg2[%swap3A_82, %swap3A_83, %swap3A_84] : memref<200x64x128xf32, #tpu.memory_space<vmem>>, vector<2x64x128xf32>
    tpu.vector_store %arg2[%swap3A_82, %swap3A_83, %swap3A_84], %reshape3A_81 {strides = array<i32>} : memref<200x64x128xf32, #tpu.memory_space<vmem>>, vector<2x64x128xf32>,
    %slice3A_86 = vector.extract_strided_slice %reshape3A {offsets = [0, 11, 0], sizes = [128, 1, 128], strides = [1, 1, 1]} : vector<128x100x128xf32> to vector<128x1x128xf32>
    %squeeze3A_87 = vector.shape_cast %slice3A_86 : vector<128x1x128xf32> to vector<128x128xf32>
    %transpose3A_88 = tpu.transpose %squeeze3A_87, [1, 0] : vector<128x128xf32> -> vector<128x128xf32>
    %reshape3A_89 = vector.shape_cast %transpose3A_88 : vector<128x128xf32> to vector<2x64x128xf32>
    %swap3A_90 = arith.constant 22 : index
    %swap3A_91 = arith.constant 0 : index
    %swap3A_92 = arith.constant 0 : index
    %swap3A_93 = vector.load %arg2[%swap3A_90, %swap3A_91, %swap3A_92] : memref<200x64x128xf32, #tpu.memory_space<vmem>>, vector<2x64x128xf32>
    tpu.vector_store %arg2[%swap3A_90, %swap3A_91, %swap3A_92], %reshape3A_89 {strides = array<i32>} : memref<200x64x128xf32, #tpu.memory_space<vmem>>, vector<2x64x128xf32>,
    %slice3A_94 = vector.extract_strided_slice %reshape3A {offsets = [0, 12, 0], sizes = [128, 1, 128], strides = [1, 1, 1]} : vector<128x100x128xf32> to vector<128x1x128xf32>
    %squeeze3A_95 = vector.shape_cast %slice3A_94 : vector<128x1x128xf32> to vector<128x128xf32>
    %transpose3A_96 = tpu.transpose %squeeze3A_95, [1, 0] : vector<128x128xf32> -> vector<128x128xf32>
    %reshape3A_97 = vector.shape_cast %transpose3A_96 : vector<128x128xf32> to vector<2x64x128xf32>
    %swap3A_98 = arith.constant 24 : index
    %swap3A_99 = arith.constant 0 : index
    %swap3A_100 = arith.constant 0 : index
    %swap3A_101 = vector.load %arg2[%swap3A_98, %swap3A_99, %swap3A_100] : memref<200x64x128xf32, #tpu.memory_space<vmem>>, vector<2x64x128xf32>
    tpu.vector_store %arg2[%swap3A_98, %swap3A_99, %swap3A_100], %reshape3A_97 {strides = array<i32>} : memref<200x64x128xf32, #tpu.memory_space<vmem>>, vector<2x64x128xf32>,
    %slice3A_102 = vector.extract_strided_slice %reshape3A {offsets = [0, 13, 0], sizes = [128, 1, 128], strides = [1, 1, 1]} : vector<128x100x128xf32> to vector<128x1x128xf32>
    %squeeze3A_103 = vector.shape_cast %slice3A_102 : vector<128x1x128xf32> to vector<128x128xf32>
    %transpose3A_104 = tpu.transpose %squeeze3A_103, [1, 0] : vector<128x128xf32> -> vector<128x128xf32>
    %reshape3A_105 = vector.shape_cast %transpose3A_104 : vector<128x128xf32> to vector<2x64x128xf32>
    %swap3A_106 = arith.constant 26 : index
    %swap3A_107 = arith.constant 0 : index
    %swap3A_108 = arith.constant 0 : index
    %swap3A_109 = vector.load %arg2[%swap3A_106, %swap3A_107, %swap3A_108] : memref<200x64x128xf32, #tpu.memory_space<vmem>>, vector<2x64x128xf32>
    tpu.vector_store %arg2[%swap3A_106, %swap3A_107, %swap3A_108], %reshape3A_105 {strides = array<i32>} : memref<200x64x128xf32, #tpu.memory_space<vmem>>, vector<2x64x128xf32>,
    %slice3A_110 = vector.extract_strided_slice %reshape3A {offsets = [0, 14, 0], sizes = [128, 1, 128], strides = [1, 1, 1]} : vector<128x100x128xf32> to vector<128x1x128xf32>
    %squeeze3A_111 = vector.shape_cast %slice3A_110 : vector<128x1x128xf32> to vector<128x128xf32>
    %transpose3A_112 = tpu.transpose %squeeze3A_111, [1, 0] : vector<128x128xf32> -> vector<128x128xf32>
    %reshape3A_113 = vector.shape_cast %transpose3A_112 : vector<128x128xf32> to vector<2x64x128xf32>
    %swap3A_114 = arith.constant 28 : index
    %swap3A_115 = arith.constant 0 : index
    %swap3A_116 = arith.constant 0 : index
    %swap3A_117 = vector.load %arg2[%swap3A_114, %swap3A_115, %swap3A_116] : memref<200x64x128xf32, #tpu.memory_space<vmem>>, vector<2x64x128xf32>
    tpu.vector_store %arg2[%swap3A_114, %swap3A_115, %swap3A_116], %reshape3A_113 {strides = array<i32>} : memref<200x64x128xf32, #tpu.memory_space<vmem>>, vector<2x64x128xf32>,
    %slice3A_118 = vector.extract_strided_slice %reshape3A {offsets = [0, 15, 0], sizes = [128, 1, 128], strides = [1, 1, 1]} : vector<128x100x128xf32> to vector<128x1x128xf32>
    %squeeze3A_119 = vector.shape_cast %slice3A_118 : vector<128x1x128xf32> to vector<128x128xf32>
    %transpose3A_120 = tpu.transpose %squeeze3A_119, [1, 0] : vector<128x128xf32> -> vector<128x128xf32>
    %reshape3A_121 = vector.shape_cast %transpose3A_120 : vector<128x128xf32> to vector<2x64x128xf32>
    %swap3A_122 = arith.constant 30 : index
    %swap3A_123 = arith.constant 0 : index
    %swap3A_124 = arith.constant 0 : index
    %swap3A_125 = vector.load %arg2[%swap3A_122, %swap3A_123, %swap3A_124] : memref<200x64x128xf32, #tpu.memory_space<vmem>>, vector<2x64x128xf32>
    tpu.vector_store %arg2[%swap3A_122, %swap3A_123, %swap3A_124], %reshape3A_121 {strides = array<i32>} : memref<200x64x128xf32, #tpu.memory_space<vmem>>, vector<2x64x128xf32>,
    %slice3A_126 = vector.extract_strided_slice %reshape3A {offsets = [0, 16, 0], sizes = [128, 1, 128], strides = [1, 1, 1]} : vector<128x100x128xf32> to vector<128x1x128xf32>
    %squeeze3A_127 = vector.shape_cast %slice3A_126 : vector<128x1x128xf32> to vector<128x128xf32>
    %transpose3A_128 = tpu.transpose %squeeze3A_127, [1, 0] : vector<128x128xf32> -> vector<128x128xf32>
    %reshape3A_129 = vector.shape_cast %transpose3A_128 : vector<128x128xf32> to vector<2x64x128xf32>
    %swap3A_130 = arith.constant 32 : index
    %swap3A_131 = arith.constant 0 : index
    %swap3A_132 = arith.constant 0 : index
    %swap3A_133 = vector.load %arg2[%swap3A_130, %swap3A_131, %swap3A_132] : memref<200x64x128xf32, #tpu.memory_space<vmem>>, vector<2x64x128xf32>
    tpu.vector_store %arg2[%swap3A_130, %swap3A_131, %swap3A_132], %reshape3A_129 {strides = array<i32>} : memref<200x64x128xf32, #tpu.memory_space<vmem>>, vector<2x64x128xf32>,
    %slice3A_134 = vector.extract_strided_slice %reshape3A {offsets = [0, 17, 0], sizes = [128, 1, 128], strides = [1, 1, 1]} : vector<128x100x128xf32> to vector<128x1x128xf32>
    %squeeze3A_135 = vector.shape_cast %slice3A_134 : vector<128x1x128xf32> to vector<128x128xf32>
    %transpose3A_136 = tpu.transpose %squeeze3A_135, [1, 0] : vector<128x128xf32> -> vector<128x128xf32>
    %reshape3A_137 = vector.shape_cast %transpose3A_136 : vector<128x128xf32> to vector<2x64x128xf32>
    %swap3A_138 = arith.constant 34 : index
    %swap3A_139 = arith.constant 0 : index
    %swap3A_140 = arith.constant 0 : index
    %swap3A_141 = vector.load %arg2[%swap3A_138, %swap3A_139, %swap3A_140] : memref<200x64x128xf32, #tpu.memory_space<vmem>>, vector<2x64x128xf32>
    tpu.vector_store %arg2[%swap3A_138, %swap3A_139, %swap3A_140], %reshape3A_137 {strides = array<i32>} : memref<200x64x128xf32, #tpu.memory_space<vmem>>, vector<2x64x128xf32>,
    %slice3A_142 = vector.extract_strided_slice %reshape3A {offsets = [0, 18, 0], sizes = [128, 1, 128], strides = [1, 1, 1]} : vector<128x100x128xf32> to vector<128x1x128xf32>
    %squeeze3A_143 = vector.shape_cast %slice3A_142 : vector<128x1x128xf32> to vector<128x128xf32>
    %transpose3A_144 = tpu.transpose %squeeze3A_143, [1, 0] : vector<128x128xf32> -> vector<128x128xf32>
    %reshape3A_145 = vector.shape_cast %transpose3A_144 : vector<128x128xf32> to vector<2x64x128xf32>
    %swap3A_146 = arith.constant 36 : index
    %swap3A_147 = arith.constant 0 : index
    %swap3A_148 = arith.constant 0 : index
    %swap3A_149 = vector.load %arg2[%swap3A_146, %swap3A_147, %swap3A_148] : memref<200x64x128xf32, #tpu.memory_space<vmem>>, vector<2x64x128xf32>
    tpu.vector_store %arg2[%swap3A_146, %swap3A_147, %swap3A_148], %reshape3A_145 {strides = array<i32>} : memref<200x64x128xf32, #tpu.memory_space<vmem>>, vector<2x64x128xf32>,
    %slice3A_150 = vector.extract_strided_slice %reshape3A {offsets = [0, 19, 0], sizes = [128, 1, 128], strides = [1, 1, 1]} : vector<128x100x128xf32> to vector<128x1x128xf32>
    %squeeze3A_151 = vector.shape_cast %slice3A_150 : vector<128x1x128xf32> to vector<128x128xf32>
    %transpose3A_152 = tpu.transpose %squeeze3A_151, [1, 0] : vector<128x128xf32> -> vector<128x128xf32>
    %reshape3A_153 = vector.shape_cast %transpose3A_152 : vector<128x128xf32> to vector<2x64x128xf32>
    %swap3A_154 = arith.constant 38 : index
    %swap3A_155 = arith.constant 0 : index
    %swap3A_156 = arith.constant 0 : index
    %swap3A_157 = vector.load %arg2[%swap3A_154, %swap3A_155, %swap3A_156] : memref<200x64x128xf32, #tpu.memory_space<vmem>>, vector<2x64x128xf32>
    tpu.vector_store %arg2[%swap3A_154, %swap3A_155, %swap3A_156], %reshape3A_153 {strides = array<i32>} : memref<200x64x128xf32, #tpu.memory_space<vmem>>, vector<2x64x128xf32>,
    %slice3A_158 = vector.extract_strided_slice %reshape3A {offsets = [0, 20, 0], sizes = [128, 1, 128], strides = [1, 1, 1]} : vector<128x100x128xf32> to vector<128x1x128xf32>
    %squeeze3A_159 = vector.shape_cast %slice3A_158 : vector<128x1x128xf32> to vector<128x128xf32>
    %transpose3A_160 = tpu.transpose %squeeze3A_159, [1, 0] : vector<128x128xf32> -> vector<128x128xf32>
    %reshape3A_161 = vector.shape_cast %transpose3A_160 : vector<128x128xf32> to vector<2x64x128xf32>
    %swap3A_162 = arith.constant 40 : index
    %swap3A_163 = arith.constant 0 : index
    %swap3A_164 = arith.constant 0 : index
    %swap3A_165 = vector.load %arg2[%swap3A_162, %swap3A_163, %swap3A_164] : memref<200x64x128xf32, #tpu.memory_space<vmem>>, vector<2x64x128xf32>
    tpu.vector_store %arg2[%swap3A_162, %swap3A_163, %swap3A_164], %reshape3A_161 {strides = array<i32>} : memref<200x64x128xf32, #tpu.memory_space<vmem>>, vector<2x64x128xf32>,
    %slice3A_166 = vector.extract_strided_slice %reshape3A {offsets = [0, 21, 0], sizes = [128, 1, 128], strides = [1, 1, 1]} : vector<128x100x128xf32> to vector<128x1x128xf32>
    %squeeze3A_167 = vector.shape_cast %slice3A_166 : vector<128x1x128xf32> to vector<128x128xf32>
    %transpose3A_168 = tpu.transpose %squeeze3A_167, [1, 0] : vector<128x128xf32> -> vector<128x128xf32>
    %reshape3A_169 = vector.shape_cast %transpose3A_168 : vector<128x128xf32> to vector<2x64x128xf32>
    %swap3A_170 = arith.constant 42 : index
    %swap3A_171 = arith.constant 0 : index
    %swap3A_172 = arith.constant 0 : index
    %swap3A_173 = vector.load %arg2[%swap3A_170, %swap3A_171, %swap3A_172] : memref<200x64x128xf32, #tpu.memory_space<vmem>>, vector<2x64x128xf32>
    tpu.vector_store %arg2[%swap3A_170, %swap3A_171, %swap3A_172], %reshape3A_169 {strides = array<i32>} : memref<200x64x128xf32, #tpu.memory_space<vmem>>, vector<2x64x128xf32>,
    %slice3A_174 = vector.extract_strided_slice %reshape3A {offsets = [0, 22, 0], sizes = [128, 1, 128], strides = [1, 1, 1]} : vector<128x100x128xf32> to vector<128x1x128xf32>
    %squeeze3A_175 = vector.shape_cast %slice3A_174 : vector<128x1x128xf32> to vector<128x128xf32>
    %transpose3A_176 = tpu.transpose %squeeze3A_175, [1, 0] : vector<128x128xf32> -> vector<128x128xf32>
    %reshape3A_177 = vector.shape_cast %transpose3A_176 : vector<128x128xf32> to vector<2x64x128xf32>
    %swap3A_178 = arith.constant 44 : index
    %swap3A_179 = arith.constant 0 : index
    %swap3A_180 = arith.constant 0 : index
    %swap3A_181 = vector.load %arg2[%swap3A_178, %swap3A_179, %swap3A_180] : memref<200x64x128xf32, #tpu.memory_space<vmem>>, vector<2x64x128xf32>
    tpu.vector_store %arg2[%swap3A_178, %swap3A_179, %swap3A_180], %reshape3A_177 {strides = array<i32>} : memref<200x64x128xf32, #tpu.memory_space<vmem>>, vector<2x64x128xf32>,
    %slice3A_182 = vector.extract_strided_slice %reshape3A {offsets = [0, 23, 0], sizes = [128, 1, 128], strides = [1, 1, 1]} : vector<128x100x128xf32> to vector<128x1x128xf32>
    %squeeze3A_183 = vector.shape_cast %slice3A_182 : vector<128x1x128xf32> to vector<128x128xf32>
    %transpose3A_184 = tpu.transpose %squeeze3A_183, [1, 0] : vector<128x128xf32> -> vector<128x128xf32>
    %reshape3A_185 = vector.shape_cast %transpose3A_184 : vector<128x128xf32> to vector<2x64x128xf32>
    %swap3A_186 = arith.constant 46 : index
    %swap3A_187 = arith.constant 0 : index
    %swap3A_188 = arith.constant 0 : index
    %swap3A_189 = vector.load %arg2[%swap3A_186, %swap3A_187, %swap3A_188] : memref<200x64x128xf32, #tpu.memory_space<vmem>>, vector<2x64x128xf32>
    tpu.vector_store %arg2[%swap3A_186, %swap3A_187, %swap3A_188], %reshape3A_185 {strides = array<i32>} : memref<200x64x128xf32, #tpu.memory_space<vmem>>, vector<2x64x128xf32>,
    %slice3A_190 = vector.extract_strided_slice %reshape3A {offsets = [0, 24, 0], sizes = [128, 1, 128], strides = [1, 1, 1]} : vector<128x100x128xf32> to vector<128x1x128xf32>
    %squeeze3A_191 = vector.shape_cast %slice3A_190 : vector<128x1x128xf32> to vector<128x128xf32>
    %transpose3A_192 = tpu.transpose %squeeze3A_191, [1, 0] : vector<128x128xf32> -> vector<128x128xf32>
    %reshape3A_193 = vector.shape_cast %transpose3A_192 : vector<128x128xf32> to vector<2x64x128xf32>
    %swap3A_194 = arith.constant 48 : index
    %swap3A_195 = arith.constant 0 : index
    %swap3A_196 = arith.constant 0 : index
    %swap3A_197 = vector.load %arg2[%swap3A_194, %swap3A_195, %swap3A_196] : memref<200x64x128xf32, #tpu.memory_space<vmem>>, vector<2x64x128xf32>
    tpu.vector_store %arg2[%swap3A_194, %swap3A_195, %swap3A_196], %reshape3A_193 {strides = array<i32>} : memref<200x64x128xf32, #tpu.memory_space<vmem>>, vector<2x64x128xf32>,
    %slice3A_198 = vector.extract_strided_slice %reshape3A {offsets = [0, 25, 0], sizes = [128, 1, 128], strides = [1, 1, 1]} : vector<128x100x128xf32> to vector<128x1x128xf32>
    %squeeze3A_199 = vector.shape_cast %slice3A_198 : vector<128x1x128xf32> to vector<128x128xf32>
    %transpose3A_200 = tpu.transpose %squeeze3A_199, [1, 0] : vector<128x128xf32> -> vector<128x128xf32>
    %reshape3A_201 = vector.shape_cast %transpose3A_200 : vector<128x128xf32> to vector<2x64x128xf32>
    %swap3A_202 = arith.constant 50 : index
    %swap3A_203 = arith.constant 0 : index
    %swap3A_204 = arith.constant 0 : index
    %swap3A_205 = vector.load %arg2[%swap3A_202, %swap3A_203, %swap3A_204] : memref<200x64x128xf32, #tpu.memory_space<vmem>>, vector<2x64x128xf32>
    tpu.vector_store %arg2[%swap3A_202, %swap3A_203, %swap3A_204], %reshape3A_201 {strides = array<i32>} : memref<200x64x128xf32, #tpu.memory_space<vmem>>, vector<2x64x128xf32>,
    %slice3A_206 = vector.extract_strided_slice %reshape3A {offsets = [0, 26, 0], sizes = [128, 1, 128], strides = [1, 1, 1]} : vector<128x100x128xf32> to vector<128x1x128xf32>
    %squeeze3A_207 = vector.shape_cast %slice3A_206 : vector<128x1x128xf32> to vector<128x128xf32>
    %transpose3A_208 = tpu.transpose %squeeze3A_207, [1, 0] : vector<128x128xf32> -> vector<128x128xf32>
    %reshape3A_209 = vector.shape_cast %transpose3A_208 : vector<128x128xf32> to vector<2x64x128xf32>
    %swap3A_210 = arith.constant 52 : index
    %swap3A_211 = arith.constant 0 : index
    %swap3A_212 = arith.constant 0 : index
    %swap3A_213 = vector.load %arg2[%swap3A_210, %swap3A_211, %swap3A_212] : memref<200x64x128xf32, #tpu.memory_space<vmem>>, vector<2x64x128xf32>
    tpu.vector_store %arg2[%swap3A_210, %swap3A_211, %swap3A_212], %reshape3A_209 {strides = array<i32>} : memref<200x64x128xf32, #tpu.memory_space<vmem>>, vector<2x64x128xf32>,
    %slice3A_214 = vector.extract_strided_slice %reshape3A {offsets = [0, 27, 0], sizes = [128, 1, 128], strides = [1, 1, 1]} : vector<128x100x128xf32> to vector<128x1x128xf32>
    %squeeze3A_215 = vector.shape_cast %slice3A_214 : vector<128x1x128xf32> to vector<128x128xf32>
    %transpose3A_216 = tpu.transpose %squeeze3A_215, [1, 0] : vector<128x128xf32> -> vector<128x128xf32>
    %reshape3A_217 = vector.shape_cast %transpose3A_216 : vector<128x128xf32> to vector<2x64x128xf32>
    %swap3A_218 = arith.constant 54 : index
    %swap3A_219 = arith.constant 0 : index
    %swap3A_220 = arith.constant 0 : index
    %swap3A_221 = vector.load %arg2[%swap3A_218, %swap3A_219, %swap3A_220] : memref<200x64x128xf32, #tpu.memory_space<vmem>>, vector<2x64x128xf32>
    tpu.vector_store %arg2[%swap3A_218, %swap3A_219, %swap3A_220], %reshape3A_217 {strides = array<i32>} : memref<200x64x128xf32, #tpu.memory_space<vmem>>, vector<2x64x128xf32>,
    %slice3A_222 = vector.extract_strided_slice %reshape3A {offsets = [0, 28, 0], sizes = [128, 1, 128], strides = [1, 1, 1]} : vector<128x100x128xf32> to vector<128x1x128xf32>
    %squeeze3A_223 = vector.shape_cast %slice3A_222 : vector<128x1x128xf32> to vector<128x128xf32>
    %transpose3A_224 = tpu.transpose %squeeze3A_223, [1, 0] : vector<128x128xf32> -> vector<128x128xf32>
    %reshape3A_225 = vector.shape_cast %transpose3A_224 : vector<128x128xf32> to vector<2x64x128xf32>
    %swap3A_226 = arith.constant 56 : index
    %swap3A_227 = arith.constant 0 : index
    %swap3A_228 = arith.constant 0 : index
    %swap3A_229 = vector.load %arg2[%swap3A_226, %swap3A_227, %swap3A_228] : memref<200x64x128xf32, #tpu.memory_space<vmem>>, vector<2x64x128xf32>
    tpu.vector_store %arg2[%swap3A_226, %swap3A_227, %swap3A_228], %reshape3A_225 {strides = array<i32>} : memref<200x64x128xf32, #tpu.memory_space<vmem>>, vector<2x64x128xf32>,
    %slice3A_230 = vector.extract_strided_slice %reshape3A {offsets = [0, 29, 0], sizes = [128, 1, 128], strides = [1, 1, 1]} : vector<128x100x128xf32> to vector<128x1x128xf32>
    %squeeze3A_231 = vector.shape_cast %slice3A_230 : vector<128x1x128xf32> to vector<128x128xf32>
    %transpose3A_232 = tpu.transpose %squeeze3A_231, [1, 0] : vector<128x128xf32> -> vector<128x128xf32>
    %reshape3A_233 = vector.shape_cast %transpose3A_232 : vector<128x128xf32> to vector<2x64x128xf32>
    %swap3A_234 = arith.constant 58 : index
    %swap3A_235 = arith.constant 0 : index
    %swap3A_236 = arith.constant 0 : index
    %swap3A_237 = vector.load %arg2[%swap3A_234, %swap3A_235, %swap3A_236] : memref<200x64x128xf32, #tpu.memory_space<vmem>>, vector<2x64x128xf32>
    tpu.vector_store %arg2[%swap3A_234, %swap3A_235, %swap3A_236], %reshape3A_233 {strides = array<i32>} : memref<200x64x128xf32, #tpu.memory_space<vmem>>, vector<2x64x128xf32>,
    %slice3A_238 = vector.extract_strided_slice %reshape3A {offsets = [0, 30, 0], sizes = [128, 1, 128], strides = [1, 1, 1]} : vector<128x100x128xf32> to vector<128x1x128xf32>
    %squeeze3A_239 = vector.shape_cast %slice3A_238 : vector<128x1x128xf32> to vector<128x128xf32>
    %transpose3A_240 = tpu.transpose %squeeze3A_239, [1, 0] : vector<128x128xf32> -> vector<128x128xf32>
    %reshape3A_241 = vector.shape_cast %transpose3A_240 : vector<128x128xf32> to vector<2x64x128xf32>
    %swap3A_242 = arith.constant 60 : index
    %swap3A_243 = arith.constant 0 : index
    %swap3A_244 = arith.constant 0 : index
    %swap3A_245 = vector.load %arg2[%swap3A_242, %swap3A_243, %swap3A_244] : memref<200x64x128xf32, #tpu.memory_space<vmem>>, vector<2x64x128xf32>
    tpu.vector_store %arg2[%swap3A_242, %swap3A_243, %swap3A_244], %reshape3A_241 {strides = array<i32>} : memref<200x64x128xf32, #tpu.memory_space<vmem>>, vector<2x64x128xf32>,
    %slice3A_246 = vector.extract_strided_slice %reshape3A {offsets = [0, 31, 0], sizes = [128, 1, 128], strides = [1, 1, 1]} : vector<128x100x128xf32> to vector<128x1x128xf32>
    %squeeze3A_247 = vector.shape_cast %slice3A_246 : vector<128x1x128xf32> to vector<128x128xf32>
    %transpose3A_248 = tpu.transpose %squeeze3A_247, [1, 0] : vector<128x128xf32> -> vector<128x128xf32>
    %reshape3A_249 = vector.shape_cast %transpose3A_248 : vector<128x128xf32> to vector<2x64x128xf32>
    %swap3A_250 = arith.constant 62 : index
    %swap3A_251 = arith.constant 0 : index
    %swap3A_252 = arith.constant 0 : index
    %swap3A_253 = vector.load %arg2[%swap3A_250, %swap3A_251, %swap3A_252] : memref<200x64x128xf32, #tpu.memory_space<vmem>>, vector<2x64x128xf32>
    tpu.vector_store %arg2[%swap3A_250, %swap3A_251, %swap3A_252], %reshape3A_249 {strides = array<i32>} : memref<200x64x128xf32, #tpu.memory_space<vmem>>, vector<2x64x128xf32>,
    %slice3A_254 = vector.extract_strided_slice %reshape3A {offsets = [0, 32, 0], sizes = [128, 1, 128], strides = [1, 1, 1]} : vector<128x100x128xf32> to vector<128x1x128xf32>
    %squeeze3A_255 = vector.shape_cast %slice3A_254 : vector<128x1x128xf32> to vector<128x128xf32>
    %transpose3A_256 = tpu.transpose %squeeze3A_255, [1, 0] : vector<128x128xf32> -> vector<128x128xf32>
    %reshape3A_257 = vector.shape_cast %transpose3A_256 : vector<128x128xf32> to vector<2x64x128xf32>
    %swap3A_258 = arith.constant 64 : index
    %swap3A_259 = arith.constant 0 : index
    %swap3A_260 = arith.constant 0 : index
    %swap3A_261 = vector.load %arg2[%swap3A_258, %swap3A_259, %swap3A_260] : memref<200x64x128xf32, #tpu.memory_space<vmem>>, vector<2x64x128xf32>
    tpu.vector_store %arg2[%swap3A_258, %swap3A_259, %swap3A_260], %reshape3A_257 {strides = array<i32>} : memref<200x64x128xf32, #tpu.memory_space<vmem>>, vector<2x64x128xf32>,
    %slice3A_262 = vector.extract_strided_slice %reshape3A {offsets = [0, 33, 0], sizes = [128, 1, 128], strides = [1, 1, 1]} : vector<128x100x128xf32> to vector<128x1x128xf32>
    %squeeze3A_263 = vector.shape_cast %slice3A_262 : vector<128x1x128xf32> to vector<128x128xf32>
    %transpose3A_264 = tpu.transpose %squeeze3A_263, [1, 0] : vector<128x128xf32> -> vector<128x128xf32>
    %reshape3A_265 = vector.shape_cast %transpose3A_264 : vector<128x128xf32> to vector<2x64x128xf32>
    %swap3A_266 = arith.constant 66 : index
    %swap3A_267 = arith.constant 0 : index
    %swap3A_268 = arith.constant 0 : index
    %swap3A_269 = vector.load %arg2[%swap3A_266, %swap3A_267, %swap3A_268] : memref<200x64x128xf32, #tpu.memory_space<vmem>>, vector<2x64x128xf32>
    tpu.vector_store %arg2[%swap3A_266, %swap3A_267, %swap3A_268], %reshape3A_265 {strides = array<i32>} : memref<200x64x128xf32, #tpu.memory_space<vmem>>, vector<2x64x128xf32>,
    %slice3A_270 = vector.extract_strided_slice %reshape3A {offsets = [0, 34, 0], sizes = [128, 1, 128], strides = [1, 1, 1]} : vector<128x100x128xf32> to vector<128x1x128xf32>
    %squeeze3A_271 = vector.shape_cast %slice3A_270 : vector<128x1x128xf32> to vector<128x128xf32>
    %transpose3A_272 = tpu.transpose %squeeze3A_271, [1, 0] : vector<128x128xf32> -> vector<128x128xf32>
    %reshape3A_273 = vector.shape_cast %transpose3A_272 : vector<128x128xf32> to vector<2x64x128xf32>
    %swap3A_274 = arith.constant 68 : index
    %swap3A_275 = arith.constant 0 : index
    %swap3A_276 = arith.constant 0 : index
    %swap3A_277 = vector.load %arg2[%swap3A_274, %swap3A_275, %swap3A_276] : memref<200x64x128xf32, #tpu.memory_space<vmem>>, vector<2x64x128xf32>
    tpu.vector_store %arg2[%swap3A_274, %swap3A_275, %swap3A_276], %reshape3A_273 {strides = array<i32>} : memref<200x64x128xf32, #tpu.memory_space<vmem>>, vector<2x64x128xf32>,
    %slice3A_278 = vector.extract_strided_slice %reshape3A {offsets = [0, 35, 0], sizes = [128, 1, 128], strides = [1, 1, 1]} : vector<128x100x128xf32> to vector<128x1x128xf32>
    %squeeze3A_279 = vector.shape_cast %slice3A_278 : vector<128x1x128xf32> to vector<128x128xf32>
    %transpose3A_280 = tpu.transpose %squeeze3A_279, [1, 0] : vector<128x128xf32> -> vector<128x128xf32>
    %reshape3A_281 = vector.shape_cast %transpose3A_280 : vector<128x128xf32> to vector<2x64x128xf32>
    %swap3A_282 = arith.constant 70 : index
    %swap3A_283 = arith.constant 0 : index
    %swap3A_284 = arith.constant 0 : index
    %swap3A_285 = vector.load %arg2[%swap3A_282, %swap3A_283, %swap3A_284] : memref<200x64x128xf32, #tpu.memory_space<vmem>>, vector<2x64x128xf32>
    tpu.vector_store %arg2[%swap3A_282, %swap3A_283, %swap3A_284], %reshape3A_281 {strides = array<i32>} : memref<200x64x128xf32, #tpu.memory_space<vmem>>, vector<2x64x128xf32>,
    %slice3A_286 = vector.extract_strided_slice %reshape3A {offsets = [0, 36, 0], sizes = [128, 1, 128], strides = [1, 1, 1]} : vector<128x100x128xf32> to vector<128x1x128xf32>
    %squeeze3A_287 = vector.shape_cast %slice3A_286 : vector<128x1x128xf32> to vector<128x128xf32>
    %transpose3A_288 = tpu.transpose %squeeze3A_287, [1, 0] : vector<128x128xf32> -> vector<128x128xf32>
    %reshape3A_289 = vector.shape_cast %transpose3A_288 : vector<128x128xf32> to vector<2x64x128xf32>
    %swap3A_290 = arith.constant 72 : index
    %swap3A_291 = arith.constant 0 : index
    %swap3A_292 = arith.constant 0 : index
    %swap3A_293 = vector.load %arg2[%swap3A_290, %swap3A_291, %swap3A_292] : memref<200x64x128xf32, #tpu.memory_space<vmem>>, vector<2x64x128xf32>
    tpu.vector_store %arg2[%swap3A_290, %swap3A_291, %swap3A_292], %reshape3A_289 {strides = array<i32>} : memref<200x64x128xf32, #tpu.memory_space<vmem>>, vector<2x64x128xf32>,
    %slice3A_294 = vector.extract_strided_slice %reshape3A {offsets = [0, 37, 0], sizes = [128, 1, 128], strides = [1, 1, 1]} : vector<128x100x128xf32> to vector<128x1x128xf32>
    %squeeze3A_295 = vector.shape_cast %slice3A_294 : vector<128x1x128xf32> to vector<128x128xf32>
    %transpose3A_296 = tpu.transpose %squeeze3A_295, [1, 0] : vector<128x128xf32> -> vector<128x128xf32>
    %reshape3A_297 = vector.shape_cast %transpose3A_296 : vector<128x128xf32> to vector<2x64x128xf32>
    %swap3A_298 = arith.constant 74 : index
    %swap3A_299 = arith.constant 0 : index
    %swap3A_300 = arith.constant 0 : index
    %swap3A_301 = vector.load %arg2[%swap3A_298, %swap3A_299, %swap3A_300] : memref<200x64x128xf32, #tpu.memory_space<vmem>>, vector<2x64x128xf32>
    tpu.vector_store %arg2[%swap3A_298, %swap3A_299, %swap3A_300], %reshape3A_297 {strides = array<i32>} : memref<200x64x128xf32, #tpu.memory_space<vmem>>, vector<2x64x128xf32>,
    %slice3A_302 = vector.extract_strided_slice %reshape3A {offsets = [0, 38, 0], sizes = [128, 1, 128], strides = [1, 1, 1]} : vector<128x100x128xf32> to vector<128x1x128xf32>
    %squeeze3A_303 = vector.shape_cast %slice3A_302 : vector<128x1x128xf32> to vector<128x128xf32>
    %transpose3A_304 = tpu.transpose %squeeze3A_303, [1, 0] : vector<128x128xf32> -> vector<128x128xf32>
    %reshape3A_305 = vector.shape_cast %transpose3A_304 : vector<128x128xf32> to vector<2x64x128xf32>
    %swap3A_306 = arith.constant 76 : index
    %swap3A_307 = arith.constant 0 : index
    %swap3A_308 = arith.constant 0 : index
    %swap3A_309 = vector.load %arg2[%swap3A_306, %swap3A_307, %swap3A_308] : memref<200x64x128xf32, #tpu.memory_space<vmem>>, vector<2x64x128xf32>
    tpu.vector_store %arg2[%swap3A_306, %swap3A_307, %swap3A_308], %reshape3A_305 {strides = array<i32>} : memref<200x64x128xf32, #tpu.memory_space<vmem>>, vector<2x64x128xf32>,
    %slice3A_310 = vector.extract_strided_slice %reshape3A {offsets = [0, 39, 0], sizes = [128, 1, 128], strides = [1, 1, 1]} : vector<128x100x128xf32> to vector<128x1x128xf32>
    %squeeze3A_311 = vector.shape_cast %slice3A_310 : vector<128x1x128xf32> to vector<128x128xf32>
    %transpose3A_312 = tpu.transpose %squeeze3A_311, [1, 0] : vector<128x128xf32> -> vector<128x128xf32>
    %reshape3A_313 = vector.shape_cast %transpose3A_312 : vector<128x128xf32> to vector<2x64x128xf32>
    %swap3A_314 = arith.constant 78 : index
    %swap3A_315 = arith.constant 0 : index
    %swap3A_316 = arith.constant 0 : index
    %swap3A_317 = vector.load %arg2[%swap3A_314, %swap3A_315, %swap3A_316] : memref<200x64x128xf32, #tpu.memory_space<vmem>>, vector<2x64x128xf32>
    tpu.vector_store %arg2[%swap3A_314, %swap3A_315, %swap3A_316], %reshape3A_313 {strides = array<i32>} : memref<200x64x128xf32, #tpu.memory_space<vmem>>, vector<2x64x128xf32>,
    %slice3A_318 = vector.extract_strided_slice %reshape3A {offsets = [0, 40, 0], sizes = [128, 1, 128], strides = [1, 1, 1]} : vector<128x100x128xf32> to vector<128x1x128xf32>
    %squeeze3A_319 = vector.shape_cast %slice3A_318 : vector<128x1x128xf32> to vector<128x128xf32>
    %transpose3A_320 = tpu.transpose %squeeze3A_319, [1, 0] : vector<128x128xf32> -> vector<128x128xf32>
    %reshape3A_321 = vector.shape_cast %transpose3A_320 : vector<128x128xf32> to vector<2x64x128xf32>
    %swap3A_322 = arith.constant 80 : index
    %swap3A_323 = arith.constant 0 : index
    %swap3A_324 = arith.constant 0 : index
    %swap3A_325 = vector.load %arg2[%swap3A_322, %swap3A_323, %swap3A_324] : memref<200x64x128xf32, #tpu.memory_space<vmem>>, vector<2x64x128xf32>
    tpu.vector_store %arg2[%swap3A_322, %swap3A_323, %swap3A_324], %reshape3A_321 {strides = array<i32>} : memref<200x64x128xf32, #tpu.memory_space<vmem>>, vector<2x64x128xf32>,
    %slice3A_326 = vector.extract_strided_slice %reshape3A {offsets = [0, 41, 0], sizes = [128, 1, 128], strides = [1, 1, 1]} : vector<128x100x128xf32> to vector<128x1x128xf32>
    %squeeze3A_327 = vector.shape_cast %slice3A_326 : vector<128x1x128xf32> to vector<128x128xf32>
    %transpose3A_328 = tpu.transpose %squeeze3A_327, [1, 0] : vector<128x128xf32> -> vector<128x128xf32>
    %reshape3A_329 = vector.shape_cast %transpose3A_328 : vector<128x128xf32> to vector<2x64x128xf32>
    %swap3A_330 = arith.constant 82 : index
    %swap3A_331 = arith.constant 0 : index
    %swap3A_332 = arith.constant 0 : index
    %swap3A_333 = vector.load %arg2[%swap3A_330, %swap3A_331, %swap3A_332] : memref<200x64x128xf32, #tpu.memory_space<vmem>>, vector<2x64x128xf32>
    tpu.vector_store %arg2[%swap3A_330, %swap3A_331, %swap3A_332], %reshape3A_329 {strides = array<i32>} : memref<200x64x128xf32, #tpu.memory_space<vmem>>, vector<2x64x128xf32>,
    %slice3A_334 = vector.extract_strided_slice %reshape3A {offsets = [0, 42, 0], sizes = [128, 1, 128], strides = [1, 1, 1]} : vector<128x100x128xf32> to vector<128x1x128xf32>
    %squeeze3A_335 = vector.shape_cast %slice3A_334 : vector<128x1x128xf32> to vector<128x128xf32>
    %transpose3A_336 = tpu.transpose %squeeze3A_335, [1, 0] : vector<128x128xf32> -> vector<128x128xf32>
    %reshape3A_337 = vector.shape_cast %transpose3A_336 : vector<128x128xf32> to vector<2x64x128xf32>
    %swap3A_338 = arith.constant 84 : index
    %swap3A_339 = arith.constant 0 : index
    %swap3A_340 = arith.constant 0 : index
    %swap3A_341 = vector.load %arg2[%swap3A_338, %swap3A_339, %swap3A_340] : memref<200x64x128xf32, #tpu.memory_space<vmem>>, vector<2x64x128xf32>
    tpu.vector_store %arg2[%swap3A_338, %swap3A_339, %swap3A_340], %reshape3A_337 {strides = array<i32>} : memref<200x64x128xf32, #tpu.memory_space<vmem>>, vector<2x64x128xf32>,
    %slice3A_342 = vector.extract_strided_slice %reshape3A {offsets = [0, 43, 0], sizes = [128, 1, 128], strides = [1, 1, 1]} : vector<128x100x128xf32> to vector<128x1x128xf32>
    %squeeze3A_343 = vector.shape_cast %slice3A_342 : vector<128x1x128xf32> to vector<128x128xf32>
    %transpose3A_344 = tpu.transpose %squeeze3A_343, [1, 0] : vector<128x128xf32> -> vector<128x128xf32>
    %reshape3A_345 = vector.shape_cast %transpose3A_344 : vector<128x128xf32> to vector<2x64x128xf32>
    %swap3A_346 = arith.constant 86 : index
    %swap3A_347 = arith.constant 0 : index
    %swap3A_348 = arith.constant 0 : index
    %swap3A_349 = vector.load %arg2[%swap3A_346, %swap3A_347, %swap3A_348] : memref<200x64x128xf32, #tpu.memory_space<vmem>>, vector<2x64x128xf32>
    tpu.vector_store %arg2[%swap3A_346, %swap3A_347, %swap3A_348], %reshape3A_345 {strides = array<i32>} : memref<200x64x128xf32, #tpu.memory_space<vmem>>, vector<2x64x128xf32>,
    %slice3A_350 = vector.extract_strided_slice %reshape3A {offsets = [0, 44, 0], sizes = [128, 1, 128], strides = [1, 1, 1]} : vector<128x100x128xf32> to vector<128x1x128xf32>
    %squeeze3A_351 = vector.shape_cast %slice3A_350 : vector<128x1x128xf32> to vector<128x128xf32>
    %transpose3A_352 = tpu.transpose %squeeze3A_351, [1, 0] : vector<128x128xf32> -> vector<128x128xf32>
    %reshape3A_353 = vector.shape_cast %transpose3A_352 : vector<128x128xf32> to vector<2x64x128xf32>
    %swap3A_354 = arith.constant 88 : index
    %swap3A_355 = arith.constant 0 : index
    %swap3A_356 = arith.constant 0 : index
    %swap3A_357 = vector.load %arg2[%swap3A_354, %swap3A_355, %swap3A_356] : memref<200x64x128xf32, #tpu.memory_space<vmem>>, vector<2x64x128xf32>
    tpu.vector_store %arg2[%swap3A_354, %swap3A_355, %swap3A_356], %reshape3A_353 {strides = array<i32>} : memref<200x64x128xf32, #tpu.memory_space<vmem>>, vector<2x64x128xf32>,
    %slice3A_358 = vector.extract_strided_slice %reshape3A {offsets = [0, 45, 0], sizes = [128, 1, 128], strides = [1, 1, 1]} : vector<128x100x128xf32> to vector<128x1x128xf32>
    %squeeze3A_359 = vector.shape_cast %slice3A_358 : vector<128x1x128xf32> to vector<128x128xf32>
    %transpose3A_360 = tpu.transpose %squeeze3A_359, [1, 0] : vector<128x128xf32> -> vector<128x128xf32>
    %reshape3A_361 = vector.shape_cast %transpose3A_360 : vector<128x128xf32> to vector<2x64x128xf32>
    %swap3A_362 = arith.constant 90 : index
    %swap3A_363 = arith.constant 0 : index
    %swap3A_364 = arith.constant 0 : index
    %swap3A_365 = vector.load %arg2[%swap3A_362, %swap3A_363, %swap3A_364] : memref<200x64x128xf32, #tpu.memory_space<vmem>>, vector<2x64x128xf32>
    tpu.vector_store %arg2[%swap3A_362, %swap3A_363, %swap3A_364], %reshape3A_361 {strides = array<i32>} : memref<200x64x128xf32, #tpu.memory_space<vmem>>, vector<2x64x128xf32>,
    %slice3A_366 = vector.extract_strided_slice %reshape3A {offsets = [0, 46, 0], sizes = [128, 1, 128], strides = [1, 1, 1]} : vector<128x100x128xf32> to vector<128x1x128xf32>
    %squeeze3A_367 = vector.shape_cast %slice3A_366 : vector<128x1x128xf32> to vector<128x128xf32>
    %transpose3A_368 = tpu.transpose %squeeze3A_367, [1, 0] : vector<128x128xf32> -> vector<128x128xf32>
    %reshape3A_369 = vector.shape_cast %transpose3A_368 : vector<128x128xf32> to vector<2x64x128xf32>
    %swap3A_370 = arith.constant 92 : index
    %swap3A_371 = arith.constant 0 : index
    %swap3A_372 = arith.constant 0 : index
    %swap3A_373 = vector.load %arg2[%swap3A_370, %swap3A_371, %swap3A_372] : memref<200x64x128xf32, #tpu.memory_space<vmem>>, vector<2x64x128xf32>
    tpu.vector_store %arg2[%swap3A_370, %swap3A_371, %swap3A_372], %reshape3A_369 {strides = array<i32>} : memref<200x64x128xf32, #tpu.memory_space<vmem>>, vector<2x64x128xf32>,
    %slice3A_374 = vector.extract_strided_slice %reshape3A {offsets = [0, 47, 0], sizes = [128, 1, 128], strides = [1, 1, 1]} : vector<128x100x128xf32> to vector<128x1x128xf32>
    %squeeze3A_375 = vector.shape_cast %slice3A_374 : vector<128x1x128xf32> to vector<128x128xf32>
    %transpose3A_376 = tpu.transpose %squeeze3A_375, [1, 0] : vector<128x128xf32> -> vector<128x128xf32>
    %reshape3A_377 = vector.shape_cast %transpose3A_376 : vector<128x128xf32> to vector<2x64x128xf32>
    %swap3A_378 = arith.constant 94 : index
    %swap3A_379 = arith.constant 0 : index
    %swap3A_380 = arith.constant 0 : index
    %swap3A_381 = vector.load %arg2[%swap3A_378, %swap3A_379, %swap3A_380] : memref<200x64x128xf32, #tpu.memory_space<vmem>>, vector<2x64x128xf32>
    tpu.vector_store %arg2[%swap3A_378, %swap3A_379, %swap3A_380], %reshape3A_377 {strides = array<i32>} : memref<200x64x128xf32, #tpu.memory_space<vmem>>, vector<2x64x128xf32>,
    %slice3A_382 = vector.extract_strided_slice %reshape3A {offsets = [0, 48, 0], sizes = [128, 1, 128], strides = [1, 1, 1]} : vector<128x100x128xf32> to vector<128x1x128xf32>
    %squeeze3A_383 = vector.shape_cast %slice3A_382 : vector<128x1x128xf32> to vector<128x128xf32>
    %transpose3A_384 = tpu.transpose %squeeze3A_383, [1, 0] : vector<128x128xf32> -> vector<128x128xf32>
    %reshape3A_385 = vector.shape_cast %transpose3A_384 : vector<128x128xf32> to vector<2x64x128xf32>
    %swap3A_386 = arith.constant 96 : index
    %swap3A_387 = arith.constant 0 : index
    %swap3A_388 = arith.constant 0 : index
    %swap3A_389 = vector.load %arg2[%swap3A_386, %swap3A_387, %swap3A_388] : memref<200x64x128xf32, #tpu.memory_space<vmem>>, vector<2x64x128xf32>
    tpu.vector_store %arg2[%swap3A_386, %swap3A_387, %swap3A_388], %reshape3A_385 {strides = array<i32>} : memref<200x64x128xf32, #tpu.memory_space<vmem>>, vector<2x64x128xf32>,
    %slice3A_390 = vector.extract_strided_slice %reshape3A {offsets = [0, 49, 0], sizes = [128, 1, 128], strides = [1, 1, 1]} : vector<128x100x128xf32> to vector<128x1x128xf32>
    %squeeze3A_391 = vector.shape_cast %slice3A_390 : vector<128x1x128xf32> to vector<128x128xf32>
    %transpose3A_392 = tpu.transpose %squeeze3A_391, [1, 0] : vector<128x128xf32> -> vector<128x128xf32>
    %reshape3A_393 = vector.shape_cast %transpose3A_392 : vector<128x128xf32> to vector<2x64x128xf32>
    %swap3A_394 = arith.constant 98 : index
    %swap3A_395 = arith.constant 0 : index
    %swap3A_396 = arith.constant 0 : index
    %swap3A_397 = vector.load %arg2[%swap3A_394, %swap3A_395, %swap3A_396] : memref<200x64x128xf32, #tpu.memory_space<vmem>>, vector<2x64x128xf32>
    tpu.vector_store %arg2[%swap3A_394, %swap3A_395, %swap3A_396], %reshape3A_393 {strides = array<i32>} : memref<200x64x128xf32, #tpu.memory_space<vmem>>, vector<2x64x128xf32>,
    %slice3A_398 = vector.extract_strided_slice %reshape3A {offsets = [0, 50, 0], sizes = [128, 1, 128], strides = [1, 1, 1]} : vector<128x100x128xf32> to vector<128x1x128xf32>
    %squeeze3A_399 = vector.shape_cast %slice3A_398 : vector<128x1x128xf32> to vector<128x128xf32>
    %transpose3A_400 = tpu.transpose %squeeze3A_399, [1, 0] : vector<128x128xf32> -> vector<128x128xf32>
    %reshape3A_401 = vector.shape_cast %transpose3A_400 : vector<128x128xf32> to vector<2x64x128xf32>
    %swap3A_402 = arith.constant 100 : index
    %swap3A_403 = arith.constant 0 : index
    %swap3A_404 = arith.constant 0 : index
    %swap3A_405 = vector.load %arg2[%swap3A_402, %swap3A_403, %swap3A_404] : memref<200x64x128xf32, #tpu.memory_space<vmem>>, vector<2x64x128xf32>
    tpu.vector_store %arg2[%swap3A_402, %swap3A_403, %swap3A_404], %reshape3A_401 {strides = array<i32>} : memref<200x64x128xf32, #tpu.memory_space<vmem>>, vector<2x64x128xf32>,
    %slice3A_406 = vector.extract_strided_slice %reshape3A {offsets = [0, 51, 0], sizes = [128, 1, 128], strides = [1, 1, 1]} : vector<128x100x128xf32> to vector<128x1x128xf32>
    %squeeze3A_407 = vector.shape_cast %slice3A_406 : vector<128x1x128xf32> to vector<128x128xf32>
    %transpose3A_408 = tpu.transpose %squeeze3A_407, [1, 0] : vector<128x128xf32> -> vector<128x128xf32>
    %reshape3A_409 = vector.shape_cast %transpose3A_408 : vector<128x128xf32> to vector<2x64x128xf32>
    %swap3A_410 = arith.constant 102 : index
    %swap3A_411 = arith.constant 0 : index
    %swap3A_412 = arith.constant 0 : index
    %swap3A_413 = vector.load %arg2[%swap3A_410, %swap3A_411, %swap3A_412] : memref<200x64x128xf32, #tpu.memory_space<vmem>>, vector<2x64x128xf32>
    tpu.vector_store %arg2[%swap3A_410, %swap3A_411, %swap3A_412], %reshape3A_409 {strides = array<i32>} : memref<200x64x128xf32, #tpu.memory_space<vmem>>, vector<2x64x128xf32>,
    %slice3A_414 = vector.extract_strided_slice %reshape3A {offsets = [0, 52, 0], sizes = [128, 1, 128], strides = [1, 1, 1]} : vector<128x100x128xf32> to vector<128x1x128xf32>
    %squeeze3A_415 = vector.shape_cast %slice3A_414 : vector<128x1x128xf32> to vector<128x128xf32>
    %transpose3A_416 = tpu.transpose %squeeze3A_415, [1, 0] : vector<128x128xf32> -> vector<128x128xf32>
    %reshape3A_417 = vector.shape_cast %transpose3A_416 : vector<128x128xf32> to vector<2x64x128xf32>
    %swap3A_418 = arith.constant 104 : index
    %swap3A_419 = arith.constant 0 : index
    %swap3A_420 = arith.constant 0 : index
    %swap3A_421 = vector.load %arg2[%swap3A_418, %swap3A_419, %swap3A_420] : memref<200x64x128xf32, #tpu.memory_space<vmem>>, vector<2x64x128xf32>
    tpu.vector_store %arg2[%swap3A_418, %swap3A_419, %swap3A_420], %reshape3A_417 {strides = array<i32>} : memref<200x64x128xf32, #tpu.memory_space<vmem>>, vector<2x64x128xf32>,
    %slice3A_422 = vector.extract_strided_slice %reshape3A {offsets = [0, 53, 0], sizes = [128, 1, 128], strides = [1, 1, 1]} : vector<128x100x128xf32> to vector<128x1x128xf32>
    %squeeze3A_423 = vector.shape_cast %slice3A_422 : vector<128x1x128xf32> to vector<128x128xf32>
    %transpose3A_424 = tpu.transpose %squeeze3A_423, [1, 0] : vector<128x128xf32> -> vector<128x128xf32>
    %reshape3A_425 = vector.shape_cast %transpose3A_424 : vector<128x128xf32> to vector<2x64x128xf32>
    %swap3A_426 = arith.constant 106 : index
    %swap3A_427 = arith.constant 0 : index
    %swap3A_428 = arith.constant 0 : index
    %swap3A_429 = vector.load %arg2[%swap3A_426, %swap3A_427, %swap3A_428] : memref<200x64x128xf32, #tpu.memory_space<vmem>>, vector<2x64x128xf32>
    tpu.vector_store %arg2[%swap3A_426, %swap3A_427, %swap3A_428], %reshape3A_425 {strides = array<i32>} : memref<200x64x128xf32, #tpu.memory_space<vmem>>, vector<2x64x128xf32>,
    %slice3A_430 = vector.extract_strided_slice %reshape3A {offsets = [0, 54, 0], sizes = [128, 1, 128], strides = [1, 1, 1]} : vector<128x100x128xf32> to vector<128x1x128xf32>
    %squeeze3A_431 = vector.shape_cast %slice3A_430 : vector<128x1x128xf32> to vector<128x128xf32>
    %transpose3A_432 = tpu.transpose %squeeze3A_431, [1, 0] : vector<128x128xf32> -> vector<128x128xf32>
    %reshape3A_433 = vector.shape_cast %transpose3A_432 : vector<128x128xf32> to vector<2x64x128xf32>
    %swap3A_434 = arith.constant 108 : index
    %swap3A_435 = arith.constant 0 : index
    %swap3A_436 = arith.constant 0 : index
    %swap3A_437 = vector.load %arg2[%swap3A_434, %swap3A_435, %swap3A_436] : memref<200x64x128xf32, #tpu.memory_space<vmem>>, vector<2x64x128xf32>
    tpu.vector_store %arg2[%swap3A_434, %swap3A_435, %swap3A_436], %reshape3A_433 {strides = array<i32>} : memref<200x64x128xf32, #tpu.memory_space<vmem>>, vector<2x64x128xf32>,
    %slice3A_438 = vector.extract_strided_slice %reshape3A {offsets = [0, 55, 0], sizes = [128, 1, 128], strides = [1, 1, 1]} : vector<128x100x128xf32> to vector<128x1x128xf32>
    %squeeze3A_439 = vector.shape_cast %slice3A_438 : vector<128x1x128xf32> to vector<128x128xf32>
    %transpose3A_440 = tpu.transpose %squeeze3A_439, [1, 0] : vector<128x128xf32> -> vector<128x128xf32>
    %reshape3A_441 = vector.shape_cast %transpose3A_440 : vector<128x128xf32> to vector<2x64x128xf32>
    %swap3A_442 = arith.constant 110 : index
    %swap3A_443 = arith.constant 0 : index
    %swap3A_444 = arith.constant 0 : index
    %swap3A_445 = vector.load %arg2[%swap3A_442, %swap3A_443, %swap3A_444] : memref<200x64x128xf32, #tpu.memory_space<vmem>>, vector<2x64x128xf32>
    tpu.vector_store %arg2[%swap3A_442, %swap3A_443, %swap3A_444], %reshape3A_441 {strides = array<i32>} : memref<200x64x128xf32, #tpu.memory_space<vmem>>, vector<2x64x128xf32>,
    %slice3A_446 = vector.extract_strided_slice %reshape3A {offsets = [0, 56, 0], sizes = [128, 1, 128], strides = [1, 1, 1]} : vector<128x100x128xf32> to vector<128x1x128xf32>
    %squeeze3A_447 = vector.shape_cast %slice3A_446 : vector<128x1x128xf32> to vector<128x128xf32>
    %transpose3A_448 = tpu.transpose %squeeze3A_447, [1, 0] : vector<128x128xf32> -> vector<128x128xf32>
    %reshape3A_449 = vector.shape_cast %transpose3A_448 : vector<128x128xf32> to vector<2x64x128xf32>
    %swap3A_450 = arith.constant 112 : index
    %swap3A_451 = arith.constant 0 : index
    %swap3A_452 = arith.constant 0 : index
    %swap3A_453 = vector.load %arg2[%swap3A_450, %swap3A_451, %swap3A_452] : memref<200x64x128xf32, #tpu.memory_space<vmem>>, vector<2x64x128xf32>
    tpu.vector_store %arg2[%swap3A_450, %swap3A_451, %swap3A_452], %reshape3A_449 {strides = array<i32>} : memref<200x64x128xf32, #tpu.memory_space<vmem>>, vector<2x64x128xf32>,
    %slice3A_454 = vector.extract_strided_slice %reshape3A {offsets = [0, 57, 0], sizes = [128, 1, 128], strides = [1, 1, 1]} : vector<128x100x128xf32> to vector<128x1x128xf32>
    %squeeze3A_455 = vector.shape_cast %slice3A_454 : vector<128x1x128xf32> to vector<128x128xf32>
    %transpose3A_456 = tpu.transpose %squeeze3A_455, [1, 0] : vector<128x128xf32> -> vector<128x128xf32>
    %reshape3A_457 = vector.shape_cast %transpose3A_456 : vector<128x128xf32> to vector<2x64x128xf32>
    %swap3A_458 = arith.constant 114 : index
    %swap3A_459 = arith.constant 0 : index
    %swap3A_460 = arith.constant 0 : index
    %swap3A_461 = vector.load %arg2[%swap3A_458, %swap3A_459, %swap3A_460] : memref<200x64x128xf32, #tpu.memory_space<vmem>>, vector<2x64x128xf32>
    tpu.vector_store %arg2[%swap3A_458, %swap3A_459, %swap3A_460], %reshape3A_457 {strides = array<i32>} : memref<200x64x128xf32, #tpu.memory_space<vmem>>, vector<2x64x128xf32>,
    %slice3A_462 = vector.extract_strided_slice %reshape3A {offsets = [0, 58, 0], sizes = [128, 1, 128], strides = [1, 1, 1]} : vector<128x100x128xf32> to vector<128x1x128xf32>
    %squeeze3A_463 = vector.shape_cast %slice3A_462 : vector<128x1x128xf32> to vector<128x128xf32>
    %transpose3A_464 = tpu.transpose %squeeze3A_463, [1, 0] : vector<128x128xf32> -> vector<128x128xf32>
    %reshape3A_465 = vector.shape_cast %transpose3A_464 : vector<128x128xf32> to vector<2x64x128xf32>
    %swap3A_466 = arith.constant 116 : index
    %swap3A_467 = arith.constant 0 : index
    %swap3A_468 = arith.constant 0 : index
    %swap3A_469 = vector.load %arg2[%swap3A_466, %swap3A_467, %swap3A_468] : memref<200x64x128xf32, #tpu.memory_space<vmem>>, vector<2x64x128xf32>
    tpu.vector_store %arg2[%swap3A_466, %swap3A_467, %swap3A_468], %reshape3A_465 {strides = array<i32>} : memref<200x64x128xf32, #tpu.memory_space<vmem>>, vector<2x64x128xf32>,
    %slice3A_470 = vector.extract_strided_slice %reshape3A {offsets = [0, 59, 0], sizes = [128, 1, 128], strides = [1, 1, 1]} : vector<128x100x128xf32> to vector<128x1x128xf32>
    %squeeze3A_471 = vector.shape_cast %slice3A_470 : vector<128x1x128xf32> to vector<128x128xf32>
    %transpose3A_472 = tpu.transpose %squeeze3A_471, [1, 0] : vector<128x128xf32> -> vector<128x128xf32>
    %reshape3A_473 = vector.shape_cast %transpose3A_472 : vector<128x128xf32> to vector<2x64x128xf32>
    %swap3A_474 = arith.constant 118 : index
    %swap3A_475 = arith.constant 0 : index
    %swap3A_476 = arith.constant 0 : index
    %swap3A_477 = vector.load %arg2[%swap3A_474, %swap3A_475, %swap3A_476] : memref<200x64x128xf32, #tpu.memory_space<vmem>>, vector<2x64x128xf32>
    tpu.vector_store %arg2[%swap3A_474, %swap3A_475, %swap3A_476], %reshape3A_473 {strides = array<i32>} : memref<200x64x128xf32, #tpu.memory_space<vmem>>, vector<2x64x128xf32>,
    %slice3A_478 = vector.extract_strided_slice %reshape3A {offsets = [0, 60, 0], sizes = [128, 1, 128], strides = [1, 1, 1]} : vector<128x100x128xf32> to vector<128x1x128xf32>
    %squeeze3A_479 = vector.shape_cast %slice3A_478 : vector<128x1x128xf32> to vector<128x128xf32>
    %transpose3A_480 = tpu.transpose %squeeze3A_479, [1, 0] : vector<128x128xf32> -> vector<128x128xf32>
    %reshape3A_481 = vector.shape_cast %transpose3A_480 : vector<128x128xf32> to vector<2x64x128xf32>
    %swap3A_482 = arith.constant 120 : index
    %swap3A_483 = arith.constant 0 : index
    %swap3A_484 = arith.constant 0 : index
    %swap3A_485 = vector.load %arg2[%swap3A_482, %swap3A_483, %swap3A_484] : memref<200x64x128xf32, #tpu.memory_space<vmem>>, vector<2x64x128xf32>
    tpu.vector_store %arg2[%swap3A_482, %swap3A_483, %swap3A_484], %reshape3A_481 {strides = array<i32>} : memref<200x64x128xf32, #tpu.memory_space<vmem>>, vector<2x64x128xf32>,
    %slice3A_486 = vector.extract_strided_slice %reshape3A {offsets = [0, 61, 0], sizes = [128, 1, 128], strides = [1, 1, 1]} : vector<128x100x128xf32> to vector<128x1x128xf32>
    %squeeze3A_487 = vector.shape_cast %slice3A_486 : vector<128x1x128xf32> to vector<128x128xf32>
    %transpose3A_488 = tpu.transpose %squeeze3A_487, [1, 0] : vector<128x128xf32> -> vector<128x128xf32>
    %reshape3A_489 = vector.shape_cast %transpose3A_488 : vector<128x128xf32> to vector<2x64x128xf32>
    %swap3A_490 = arith.constant 122 : index
    %swap3A_491 = arith.constant 0 : index
    %swap3A_492 = arith.constant 0 : index
    %swap3A_493 = vector.load %arg2[%swap3A_490, %swap3A_491, %swap3A_492] : memref<200x64x128xf32, #tpu.memory_space<vmem>>, vector<2x64x128xf32>
    tpu.vector_store %arg2[%swap3A_490, %swap3A_491, %swap3A_492], %reshape3A_489 {strides = array<i32>} : memref<200x64x128xf32, #tpu.memory_space<vmem>>, vector<2x64x128xf32>,
    %slice3A_494 = vector.extract_strided_slice %reshape3A {offsets = [0, 62, 0], sizes = [128, 1, 128], strides = [1, 1, 1]} : vector<128x100x128xf32> to vector<128x1x128xf32>
    %squeeze3A_495 = vector.shape_cast %slice3A_494 : vector<128x1x128xf32> to vector<128x128xf32>
    %transpose3A_496 = tpu.transpose %squeeze3A_495, [1, 0] : vector<128x128xf32> -> vector<128x128xf32>
    %reshape3A_497 = vector.shape_cast %transpose3A_496 : vector<128x128xf32> to vector<2x64x128xf32>
    %swap3A_498 = arith.constant 124 : index
    %swap3A_499 = arith.constant 0 : index
    %swap3A_500 = arith.constant 0 : index
    %swap3A_501 = vector.load %arg2[%swap3A_498, %swap3A_499, %swap3A_500] : memref<200x64x128xf32, #tpu.memory_space<vmem>>, vector<2x64x128xf32>
    tpu.vector_store %arg2[%swap3A_498, %swap3A_499, %swap3A_500], %reshape3A_497 {strides = array<i32>} : memref<200x64x128xf32, #tpu.memory_space<vmem>>, vector<2x64x128xf32>,
    %slice3A_502 = vector.extract_strided_slice %reshape3A {offsets = [0, 63, 0], sizes = [128, 1, 128], strides = [1, 1, 1]} : vector<128x100x128xf32> to vector<128x1x128xf32>
    %squeeze3A_503 = vector.shape_cast %slice3A_502 : vector<128x1x128xf32> to vector<128x128xf32>
    %transpose3A_504 = tpu.transpose %squeeze3A_503, [1, 0] : vector<128x128xf32> -> vector<128x128xf32>
    %reshape3A_505 = vector.shape_cast %transpose3A_504 : vector<128x128xf32> to vector<2x64x128xf32>
    %swap3A_506 = arith.constant 126 : index
    %swap3A_507 = arith.constant 0 : index
    %swap3A_508 = arith.constant 0 : index
    %swap3A_509 = vector.load %arg2[%swap3A_506, %swap3A_507, %swap3A_508] : memref<200x64x128xf32, #tpu.memory_space<vmem>>, vector<2x64x128xf32>
    tpu.vector_store %arg2[%swap3A_506, %swap3A_507, %swap3A_508], %reshape3A_505 {strides = array<i32>} : memref<200x64x128xf32, #tpu.memory_space<vmem>>, vector<2x64x128xf32>,
    %slice3A_510 = vector.extract_strided_slice %reshape3A {offsets = [0, 64, 0], sizes = [128, 1, 128], strides = [1, 1, 1]} : vector<128x100x128xf32> to vector<128x1x128xf32>
    %squeeze3A_511 = vector.shape_cast %slice3A_510 : vector<128x1x128xf32> to vector<128x128xf32>
    %transpose3A_512 = tpu.transpose %squeeze3A_511, [1, 0] : vector<128x128xf32> -> vector<128x128xf32>
    %reshape3A_513 = vector.shape_cast %transpose3A_512 : vector<128x128xf32> to vector<2x64x128xf32>
    %swap3A_514 = arith.constant 128 : index
    %swap3A_515 = arith.constant 0 : index
    %swap3A_516 = arith.constant 0 : index
    %swap3A_517 = vector.load %arg2[%swap3A_514, %swap3A_515, %swap3A_516] : memref<200x64x128xf32, #tpu.memory_space<vmem>>, vector<2x64x128xf32>
    tpu.vector_store %arg2[%swap3A_514, %swap3A_515, %swap3A_516], %reshape3A_513 {strides = array<i32>} : memref<200x64x128xf32, #tpu.memory_space<vmem>>, vector<2x64x128xf32>,
    %slice3A_518 = vector.extract_strided_slice %reshape3A {offsets = [0, 65, 0], sizes = [128, 1, 128], strides = [1, 1, 1]} : vector<128x100x128xf32> to vector<128x1x128xf32>
    %squeeze3A_519 = vector.shape_cast %slice3A_518 : vector<128x1x128xf32> to vector<128x128xf32>
    %transpose3A_520 = tpu.transpose %squeeze3A_519, [1, 0] : vector<128x128xf32> -> vector<128x128xf32>
    %reshape3A_521 = vector.shape_cast %transpose3A_520 : vector<128x128xf32> to vector<2x64x128xf32>
    %swap3A_522 = arith.constant 130 : index
    %swap3A_523 = arith.constant 0 : index
    %swap3A_524 = arith.constant 0 : index
    %swap3A_525 = vector.load %arg2[%swap3A_522, %swap3A_523, %swap3A_524] : memref<200x64x128xf32, #tpu.memory_space<vmem>>, vector<2x64x128xf32>
    tpu.vector_store %arg2[%swap3A_522, %swap3A_523, %swap3A_524], %reshape3A_521 {strides = array<i32>} : memref<200x64x128xf32, #tpu.memory_space<vmem>>, vector<2x64x128xf32>,
    %slice3A_526 = vector.extract_strided_slice %reshape3A {offsets = [0, 66, 0], sizes = [128, 1, 128], strides = [1, 1, 1]} : vector<128x100x128xf32> to vector<128x1x128xf32>
    %squeeze3A_527 = vector.shape_cast %slice3A_526 : vector<128x1x128xf32> to vector<128x128xf32>
    %transpose3A_528 = tpu.transpose %squeeze3A_527, [1, 0] : vector<128x128xf32> -> vector<128x128xf32>
    %reshape3A_529 = vector.shape_cast %transpose3A_528 : vector<128x128xf32> to vector<2x64x128xf32>
    %swap3A_530 = arith.constant 132 : index
    %swap3A_531 = arith.constant 0 : index
    %swap3A_532 = arith.constant 0 : index
    %swap3A_533 = vector.load %arg2[%swap3A_530, %swap3A_531, %swap3A_532] : memref<200x64x128xf32, #tpu.memory_space<vmem>>, vector<2x64x128xf32>
    tpu.vector_store %arg2[%swap3A_530, %swap3A_531, %swap3A_532], %reshape3A_529 {strides = array<i32>} : memref<200x64x128xf32, #tpu.memory_space<vmem>>, vector<2x64x128xf32>,
    %slice3A_534 = vector.extract_strided_slice %reshape3A {offsets = [0, 67, 0], sizes = [128, 1, 128], strides = [1, 1, 1]} : vector<128x100x128xf32> to vector<128x1x128xf32>
    %squeeze3A_535 = vector.shape_cast %slice3A_534 : vector<128x1x128xf32> to vector<128x128xf32>
    %transpose3A_536 = tpu.transpose %squeeze3A_535, [1, 0] : vector<128x128xf32> -> vector<128x128xf32>
    %reshape3A_537 = vector.shape_cast %transpose3A_536 : vector<128x128xf32> to vector<2x64x128xf32>
    %swap3A_538 = arith.constant 134 : index
    %swap3A_539 = arith.constant 0 : index
    %swap3A_540 = arith.constant 0 : index
    %swap3A_541 = vector.load %arg2[%swap3A_538, %swap3A_539, %swap3A_540] : memref<200x64x128xf32, #tpu.memory_space<vmem>>, vector<2x64x128xf32>
    tpu.vector_store %arg2[%swap3A_538, %swap3A_539, %swap3A_540], %reshape3A_537 {strides = array<i32>} : memref<200x64x128xf32, #tpu.memory_space<vmem>>, vector<2x64x128xf32>,
    %slice3A_542 = vector.extract_strided_slice %reshape3A {offsets = [0, 68, 0], sizes = [128, 1, 128], strides = [1, 1, 1]} : vector<128x100x128xf32> to vector<128x1x128xf32>
    %squeeze3A_543 = vector.shape_cast %slice3A_542 : vector<128x1x128xf32> to vector<128x128xf32>
    %transpose3A_544 = tpu.transpose %squeeze3A_543, [1, 0] : vector<128x128xf32> -> vector<128x128xf32>
    %reshape3A_545 = vector.shape_cast %transpose3A_544 : vector<128x128xf32> to vector<2x64x128xf32>
    %swap3A_546 = arith.constant 136 : index
    %swap3A_547 = arith.constant 0 : index
    %swap3A_548 = arith.constant 0 : index
    %swap3A_549 = vector.load %arg2[%swap3A_546, %swap3A_547, %swap3A_548] : memref<200x64x128xf32, #tpu.memory_space<vmem>>, vector<2x64x128xf32>
    tpu.vector_store %arg2[%swap3A_546, %swap3A_547, %swap3A_548], %reshape3A_545 {strides = array<i32>} : memref<200x64x128xf32, #tpu.memory_space<vmem>>, vector<2x64x128xf32>,
    %slice3A_550 = vector.extract_strided_slice %reshape3A {offsets = [0, 69, 0], sizes = [128, 1, 128], strides = [1, 1, 1]} : vector<128x100x128xf32> to vector<128x1x128xf32>
    %squeeze3A_551 = vector.shape_cast %slice3A_550 : vector<128x1x128xf32> to vector<128x128xf32>
    %transpose3A_552 = tpu.transpose %squeeze3A_551, [1, 0] : vector<128x128xf32> -> vector<128x128xf32>
    %reshape3A_553 = vector.shape_cast %transpose3A_552 : vector<128x128xf32> to vector<2x64x128xf32>
    %swap3A_554 = arith.constant 138 : index
    %swap3A_555 = arith.constant 0 : index
    %swap3A_556 = arith.constant 0 : index
    %swap3A_557 = vector.load %arg2[%swap3A_554, %swap3A_555, %swap3A_556] : memref<200x64x128xf32, #tpu.memory_space<vmem>>, vector<2x64x128xf32>
    tpu.vector_store %arg2[%swap3A_554, %swap3A_555, %swap3A_556], %reshape3A_553 {strides = array<i32>} : memref<200x64x128xf32, #tpu.memory_space<vmem>>, vector<2x64x128xf32>,
    %slice3A_558 = vector.extract_strided_slice %reshape3A {offsets = [0, 70, 0], sizes = [128, 1, 128], strides = [1, 1, 1]} : vector<128x100x128xf32> to vector<128x1x128xf32>
    %squeeze3A_559 = vector.shape_cast %slice3A_558 : vector<128x1x128xf32> to vector<128x128xf32>
    %transpose3A_560 = tpu.transpose %squeeze3A_559, [1, 0] : vector<128x128xf32> -> vector<128x128xf32>
    %reshape3A_561 = vector.shape_cast %transpose3A_560 : vector<128x128xf32> to vector<2x64x128xf32>
    %swap3A_562 = arith.constant 140 : index
    %swap3A_563 = arith.constant 0 : index
    %swap3A_564 = arith.constant 0 : index
    %swap3A_565 = vector.load %arg2[%swap3A_562, %swap3A_563, %swap3A_564] : memref<200x64x128xf32, #tpu.memory_space<vmem>>, vector<2x64x128xf32>
    tpu.vector_store %arg2[%swap3A_562, %swap3A_563, %swap3A_564], %reshape3A_561 {strides = array<i32>} : memref<200x64x128xf32, #tpu.memory_space<vmem>>, vector<2x64x128xf32>,
    %slice3A_566 = vector.extract_strided_slice %reshape3A {offsets = [0, 71, 0], sizes = [128, 1, 128], strides = [1, 1, 1]} : vector<128x100x128xf32> to vector<128x1x128xf32>
    %squeeze3A_567 = vector.shape_cast %slice3A_566 : vector<128x1x128xf32> to vector<128x128xf32>
    %transpose3A_568 = tpu.transpose %squeeze3A_567, [1, 0] : vector<128x128xf32> -> vector<128x128xf32>
    %reshape3A_569 = vector.shape_cast %transpose3A_568 : vector<128x128xf32> to vector<2x64x128xf32>
    %swap3A_570 = arith.constant 142 : index
    %swap3A_571 = arith.constant 0 : index
    %swap3A_572 = arith.constant 0 : index
    %swap3A_573 = vector.load %arg2[%swap3A_570, %swap3A_571, %swap3A_572] : memref<200x64x128xf32, #tpu.memory_space<vmem>>, vector<2x64x128xf32>
    tpu.vector_store %arg2[%swap3A_570, %swap3A_571, %swap3A_572], %reshape3A_569 {strides = array<i32>} : memref<200x64x128xf32, #tpu.memory_space<vmem>>, vector<2x64x128xf32>,
    %slice3A_574 = vector.extract_strided_slice %reshape3A {offsets = [0, 72, 0], sizes = [128, 1, 128], strides = [1, 1, 1]} : vector<128x100x128xf32> to vector<128x1x128xf32>
    %squeeze3A_575 = vector.shape_cast %slice3A_574 : vector<128x1x128xf32> to vector<128x128xf32>
    %transpose3A_576 = tpu.transpose %squeeze3A_575, [1, 0] : vector<128x128xf32> -> vector<128x128xf32>
    %reshape3A_577 = vector.shape_cast %transpose3A_576 : vector<128x128xf32> to vector<2x64x128xf32>
    %swap3A_578 = arith.constant 144 : index
    %swap3A_579 = arith.constant 0 : index
    %swap3A_580 = arith.constant 0 : index
    %swap3A_581 = vector.load %arg2[%swap3A_578, %swap3A_579, %swap3A_580] : memref<200x64x128xf32, #tpu.memory_space<vmem>>, vector<2x64x128xf32>
    tpu.vector_store %arg2[%swap3A_578, %swap3A_579, %swap3A_580], %reshape3A_577 {strides = array<i32>} : memref<200x64x128xf32, #tpu.memory_space<vmem>>, vector<2x64x128xf32>,
    %slice3A_582 = vector.extract_strided_slice %reshape3A {offsets = [0, 73, 0], sizes = [128, 1, 128], strides = [1, 1, 1]} : vector<128x100x128xf32> to vector<128x1x128xf32>
    %squeeze3A_583 = vector.shape_cast %slice3A_582 : vector<128x1x128xf32> to vector<128x128xf32>
    %transpose3A_584 = tpu.transpose %squeeze3A_583, [1, 0] : vector<128x128xf32> -> vector<128x128xf32>
    %reshape3A_585 = vector.shape_cast %transpose3A_584 : vector<128x128xf32> to vector<2x64x128xf32>
    %swap3A_586 = arith.constant 146 : index
    %swap3A_587 = arith.constant 0 : index
    %swap3A_588 = arith.constant 0 : index
    %swap3A_589 = vector.load %arg2[%swap3A_586, %swap3A_587, %swap3A_588] : memref<200x64x128xf32, #tpu.memory_space<vmem>>, vector<2x64x128xf32>
    tpu.vector_store %arg2[%swap3A_586, %swap3A_587, %swap3A_588], %reshape3A_585 {strides = array<i32>} : memref<200x64x128xf32, #tpu.memory_space<vmem>>, vector<2x64x128xf32>,
    %slice3A_590 = vector.extract_strided_slice %reshape3A {offsets = [0, 74, 0], sizes = [128, 1, 128], strides = [1, 1, 1]} : vector<128x100x128xf32> to vector<128x1x128xf32>
    %squeeze3A_591 = vector.shape_cast %slice3A_590 : vector<128x1x128xf32> to vector<128x128xf32>
    %transpose3A_592 = tpu.transpose %squeeze3A_591, [1, 0] : vector<128x128xf32> -> vector<128x128xf32>
    %reshape3A_593 = vector.shape_cast %transpose3A_592 : vector<128x128xf32> to vector<2x64x128xf32>
    %swap3A_594 = arith.constant 148 : index
    %swap3A_595 = arith.constant 0 : index
    %swap3A_596 = arith.constant 0 : index
    %swap3A_597 = vector.load %arg2[%swap3A_594, %swap3A_595, %swap3A_596] : memref<200x64x128xf32, #tpu.memory_space<vmem>>, vector<2x64x128xf32>
    tpu.vector_store %arg2[%swap3A_594, %swap3A_595, %swap3A_596], %reshape3A_593 {strides = array<i32>} : memref<200x64x128xf32, #tpu.memory_space<vmem>>, vector<2x64x128xf32>,
    %slice3A_598 = vector.extract_strided_slice %reshape3A {offsets = [0, 75, 0], sizes = [128, 1, 128], strides = [1, 1, 1]} : vector<128x100x128xf32> to vector<128x1x128xf32>
    %squeeze3A_599 = vector.shape_cast %slice3A_598 : vector<128x1x128xf32> to vector<128x128xf32>
    %transpose3A_600 = tpu.transpose %squeeze3A_599, [1, 0] : vector<128x128xf32> -> vector<128x128xf32>
    %reshape3A_601 = vector.shape_cast %transpose3A_600 : vector<128x128xf32> to vector<2x64x128xf32>
    %swap3A_602 = arith.constant 150 : index
    %swap3A_603 = arith.constant 0 : index
    %swap3A_604 = arith.constant 0 : index
    %swap3A_605 = vector.load %arg2[%swap3A_602, %swap3A_603, %swap3A_604] : memref<200x64x128xf32, #tpu.memory_space<vmem>>, vector<2x64x128xf32>
    tpu.vector_store %arg2[%swap3A_602, %swap3A_603, %swap3A_604], %reshape3A_601 {strides = array<i32>} : memref<200x64x128xf32, #tpu.memory_space<vmem>>, vector<2x64x128xf32>,
    %slice3A_606 = vector.extract_strided_slice %reshape3A {offsets = [0, 76, 0], sizes = [128, 1, 128], strides = [1, 1, 1]} : vector<128x100x128xf32> to vector<128x1x128xf32>
    %squeeze3A_607 = vector.shape_cast %slice3A_606 : vector<128x1x128xf32> to vector<128x128xf32>
    %transpose3A_608 = tpu.transpose %squeeze3A_607, [1, 0] : vector<128x128xf32> -> vector<128x128xf32>
    %reshape3A_609 = vector.shape_cast %transpose3A_608 : vector<128x128xf32> to vector<2x64x128xf32>
    %swap3A_610 = arith.constant 152 : index
    %swap3A_611 = arith.constant 0 : index
    %swap3A_612 = arith.constant 0 : index
    %swap3A_613 = vector.load %arg2[%swap3A_610, %swap3A_611, %swap3A_612] : memref<200x64x128xf32, #tpu.memory_space<vmem>>, vector<2x64x128xf32>
    tpu.vector_store %arg2[%swap3A_610, %swap3A_611, %swap3A_612], %reshape3A_609 {strides = array<i32>} : memref<200x64x128xf32, #tpu.memory_space<vmem>>, vector<2x64x128xf32>,
    %slice3A_614 = vector.extract_strided_slice %reshape3A {offsets = [0, 77, 0], sizes = [128, 1, 128], strides = [1, 1, 1]} : vector<128x100x128xf32> to vector<128x1x128xf32>
    %squeeze3A_615 = vector.shape_cast %slice3A_614 : vector<128x1x128xf32> to vector<128x128xf32>
    %transpose3A_616 = tpu.transpose %squeeze3A_615, [1, 0] : vector<128x128xf32> -> vector<128x128xf32>
    %reshape3A_617 = vector.shape_cast %transpose3A_616 : vector<128x128xf32> to vector<2x64x128xf32>
    %swap3A_618 = arith.constant 154 : index
    %swap3A_619 = arith.constant 0 : index
    %swap3A_620 = arith.constant 0 : index
    %swap3A_621 = vector.load %arg2[%swap3A_618, %swap3A_619, %swap3A_620] : memref<200x64x128xf32, #tpu.memory_space<vmem>>, vector<2x64x128xf32>
    tpu.vector_store %arg2[%swap3A_618, %swap3A_619, %swap3A_620], %reshape3A_617 {strides = array<i32>} : memref<200x64x128xf32, #tpu.memory_space<vmem>>, vector<2x64x128xf32>,
    %slice3A_622 = vector.extract_strided_slice %reshape3A {offsets = [0, 78, 0], sizes = [128, 1, 128], strides = [1, 1, 1]} : vector<128x100x128xf32> to vector<128x1x128xf32>
    %squeeze3A_623 = vector.shape_cast %slice3A_622 : vector<128x1x128xf32> to vector<128x128xf32>
    %transpose3A_624 = tpu.transpose %squeeze3A_623, [1, 0] : vector<128x128xf32> -> vector<128x128xf32>
    %reshape3A_625 = vector.shape_cast %transpose3A_624 : vector<128x128xf32> to vector<2x64x128xf32>
    %swap3A_626 = arith.constant 156 : index
    %swap3A_627 = arith.constant 0 : index
    %swap3A_628 = arith.constant 0 : index
    %swap3A_629 = vector.load %arg2[%swap3A_626, %swap3A_627, %swap3A_628] : memref<200x64x128xf32, #tpu.memory_space<vmem>>, vector<2x64x128xf32>
    tpu.vector_store %arg2[%swap3A_626, %swap3A_627, %swap3A_628], %reshape3A_625 {strides = array<i32>} : memref<200x64x128xf32, #tpu.memory_space<vmem>>, vector<2x64x128xf32>,
    %slice3A_630 = vector.extract_strided_slice %reshape3A {offsets = [0, 79, 0], sizes = [128, 1, 128], strides = [1, 1, 1]} : vector<128x100x128xf32> to vector<128x1x128xf32>
    %squeeze3A_631 = vector.shape_cast %slice3A_630 : vector<128x1x128xf32> to vector<128x128xf32>
    %transpose3A_632 = tpu.transpose %squeeze3A_631, [1, 0] : vector<128x128xf32> -> vector<128x128xf32>
    %reshape3A_633 = vector.shape_cast %transpose3A_632 : vector<128x128xf32> to vector<2x64x128xf32>
    %swap3A_634 = arith.constant 158 : index
    %swap3A_635 = arith.constant 0 : index
    %swap3A_636 = arith.constant 0 : index
    %swap3A_637 = vector.load %arg2[%swap3A_634, %swap3A_635, %swap3A_636] : memref<200x64x128xf32, #tpu.memory_space<vmem>>, vector<2x64x128xf32>
    tpu.vector_store %arg2[%swap3A_634, %swap3A_635, %swap3A_636], %reshape3A_633 {strides = array<i32>} : memref<200x64x128xf32, #tpu.memory_space<vmem>>, vector<2x64x128xf32>,
    %slice3A_638 = vector.extract_strided_slice %reshape3A {offsets = [0, 80, 0], sizes = [128, 1, 128], strides = [1, 1, 1]} : vector<128x100x128xf32> to vector<128x1x128xf32>
    %squeeze3A_639 = vector.shape_cast %slice3A_638 : vector<128x1x128xf32> to vector<128x128xf32>
    %transpose3A_640 = tpu.transpose %squeeze3A_639, [1, 0] : vector<128x128xf32> -> vector<128x128xf32>
    %reshape3A_641 = vector.shape_cast %transpose3A_640 : vector<128x128xf32> to vector<2x64x128xf32>
    %swap3A_642 = arith.constant 160 : index
    %swap3A_643 = arith.constant 0 : index
    %swap3A_644 = arith.constant 0 : index
    %swap3A_645 = vector.load %arg2[%swap3A_642, %swap3A_643, %swap3A_644] : memref<200x64x128xf32, #tpu.memory_space<vmem>>, vector<2x64x128xf32>
    tpu.vector_store %arg2[%swap3A_642, %swap3A_643, %swap3A_644], %reshape3A_641 {strides = array<i32>} : memref<200x64x128xf32, #tpu.memory_space<vmem>>, vector<2x64x128xf32>,
    %slice3A_646 = vector.extract_strided_slice %reshape3A {offsets = [0, 81, 0], sizes = [128, 1, 128], strides = [1, 1, 1]} : vector<128x100x128xf32> to vector<128x1x128xf32>
    %squeeze3A_647 = vector.shape_cast %slice3A_646 : vector<128x1x128xf32> to vector<128x128xf32>
    %transpose3A_648 = tpu.transpose %squeeze3A_647, [1, 0] : vector<128x128xf32> -> vector<128x128xf32>
    %reshape3A_649 = vector.shape_cast %transpose3A_648 : vector<128x128xf32> to vector<2x64x128xf32>
    %swap3A_650 = arith.constant 162 : index
    %swap3A_651 = arith.constant 0 : index
    %swap3A_652 = arith.constant 0 : index
    %swap3A_653 = vector.load %arg2[%swap3A_650, %swap3A_651, %swap3A_652] : memref<200x64x128xf32, #tpu.memory_space<vmem>>, vector<2x64x128xf32>
    tpu.vector_store %arg2[%swap3A_650, %swap3A_651, %swap3A_652], %reshape3A_649 {strides = array<i32>} : memref<200x64x128xf32, #tpu.memory_space<vmem>>, vector<2x64x128xf32>,
    %slice3A_654 = vector.extract_strided_slice %reshape3A {offsets = [0, 82, 0], sizes = [128, 1, 128], strides = [1, 1, 1]} : vector<128x100x128xf32> to vector<128x1x128xf32>
    %squeeze3A_655 = vector.shape_cast %slice3A_654 : vector<128x1x128xf32> to vector<128x128xf32>
    %transpose3A_656 = tpu.transpose %squeeze3A_655, [1, 0] : vector<128x128xf32> -> vector<128x128xf32>
    %reshape3A_657 = vector.shape_cast %transpose3A_656 : vector<128x128xf32> to vector<2x64x128xf32>
    %swap3A_658 = arith.constant 164 : index
    %swap3A_659 = arith.constant 0 : index
    %swap3A_660 = arith.constant 0 : index
    %swap3A_661 = vector.load %arg2[%swap3A_658, %swap3A_659, %swap3A_660] : memref<200x64x128xf32, #tpu.memory_space<vmem>>, vector<2x64x128xf32>
    tpu.vector_store %arg2[%swap3A_658, %swap3A_659, %swap3A_660], %reshape3A_657 {strides = array<i32>} : memref<200x64x128xf32, #tpu.memory_space<vmem>>, vector<2x64x128xf32>,
    %slice3A_662 = vector.extract_strided_slice %reshape3A {offsets = [0, 83, 0], sizes = [128, 1, 128], strides = [1, 1, 1]} : vector<128x100x128xf32> to vector<128x1x128xf32>
    %squeeze3A_663 = vector.shape_cast %slice3A_662 : vector<128x1x128xf32> to vector<128x128xf32>
    %transpose3A_664 = tpu.transpose %squeeze3A_663, [1, 0] : vector<128x128xf32> -> vector<128x128xf32>
    %reshape3A_665 = vector.shape_cast %transpose3A_664 : vector<128x128xf32> to vector<2x64x128xf32>
    %swap3A_666 = arith.constant 166 : index
    %swap3A_667 = arith.constant 0 : index
    %swap3A_668 = arith.constant 0 : index
    %swap3A_669 = vector.load %arg2[%swap3A_666, %swap3A_667, %swap3A_668] : memref<200x64x128xf32, #tpu.memory_space<vmem>>, vector<2x64x128xf32>
    tpu.vector_store %arg2[%swap3A_666, %swap3A_667, %swap3A_668], %reshape3A_665 {strides = array<i32>} : memref<200x64x128xf32, #tpu.memory_space<vmem>>, vector<2x64x128xf32>,
    %slice3A_670 = vector.extract_strided_slice %reshape3A {offsets = [0, 84, 0], sizes = [128, 1, 128], strides = [1, 1, 1]} : vector<128x100x128xf32> to vector<128x1x128xf32>
    %squeeze3A_671 = vector.shape_cast %slice3A_670 : vector<128x1x128xf32> to vector<128x128xf32>
    %transpose3A_672 = tpu.transpose %squeeze3A_671, [1, 0] : vector<128x128xf32> -> vector<128x128xf32>
    %reshape3A_673 = vector.shape_cast %transpose3A_672 : vector<128x128xf32> to vector<2x64x128xf32>
    %swap3A_674 = arith.constant 168 : index
    %swap3A_675 = arith.constant 0 : index
    %swap3A_676 = arith.constant 0 : index
    %swap3A_677 = vector.load %arg2[%swap3A_674, %swap3A_675, %swap3A_676] : memref<200x64x128xf32, #tpu.memory_space<vmem>>, vector<2x64x128xf32>
    tpu.vector_store %arg2[%swap3A_674, %swap3A_675, %swap3A_676], %reshape3A_673 {strides = array<i32>} : memref<200x64x128xf32, #tpu.memory_space<vmem>>, vector<2x64x128xf32>,
    %slice3A_678 = vector.extract_strided_slice %reshape3A {offsets = [0, 85, 0], sizes = [128, 1, 128], strides = [1, 1, 1]} : vector<128x100x128xf32> to vector<128x1x128xf32>
    %squeeze3A_679 = vector.shape_cast %slice3A_678 : vector<128x1x128xf32> to vector<128x128xf32>
    %transpose3A_680 = tpu.transpose %squeeze3A_679, [1, 0] : vector<128x128xf32> -> vector<128x128xf32>
    %reshape3A_681 = vector.shape_cast %transpose3A_680 : vector<128x128xf32> to vector<2x64x128xf32>
    %swap3A_682 = arith.constant 170 : index
    %swap3A_683 = arith.constant 0 : index
    %swap3A_684 = arith.constant 0 : index
    %swap3A_685 = vector.load %arg2[%swap3A_682, %swap3A_683, %swap3A_684] : memref<200x64x128xf32, #tpu.memory_space<vmem>>, vector<2x64x128xf32>
    tpu.vector_store %arg2[%swap3A_682, %swap3A_683, %swap3A_684], %reshape3A_681 {strides = array<i32>} : memref<200x64x128xf32, #tpu.memory_space<vmem>>, vector<2x64x128xf32>,
    %slice3A_686 = vector.extract_strided_slice %reshape3A {offsets = [0, 86, 0], sizes = [128, 1, 128], strides = [1, 1, 1]} : vector<128x100x128xf32> to vector<128x1x128xf32>
    %squeeze3A_687 = vector.shape_cast %slice3A_686 : vector<128x1x128xf32> to vector<128x128xf32>
    %transpose3A_688 = tpu.transpose %squeeze3A_687, [1, 0] : vector<128x128xf32> -> vector<128x128xf32>
    %reshape3A_689 = vector.shape_cast %transpose3A_688 : vector<128x128xf32> to vector<2x64x128xf32>
    %swap3A_690 = arith.constant 172 : index
    %swap3A_691 = arith.constant 0 : index
    %swap3A_692 = arith.constant 0 : index
    %swap3A_693 = vector.load %arg2[%swap3A_690, %swap3A_691, %swap3A_692] : memref<200x64x128xf32, #tpu.memory_space<vmem>>, vector<2x64x128xf32>
    tpu.vector_store %arg2[%swap3A_690, %swap3A_691, %swap3A_692], %reshape3A_689 {strides = array<i32>} : memref<200x64x128xf32, #tpu.memory_space<vmem>>, vector<2x64x128xf32>,
    %slice3A_694 = vector.extract_strided_slice %reshape3A {offsets = [0, 87, 0], sizes = [128, 1, 128], strides = [1, 1, 1]} : vector<128x100x128xf32> to vector<128x1x128xf32>
    %squeeze3A_695 = vector.shape_cast %slice3A_694 : vector<128x1x128xf32> to vector<128x128xf32>
    %transpose3A_696 = tpu.transpose %squeeze3A_695, [1, 0] : vector<128x128xf32> -> vector<128x128xf32>
    %reshape3A_697 = vector.shape_cast %transpose3A_696 : vector<128x128xf32> to vector<2x64x128xf32>
    %swap3A_698 = arith.constant 174 : index
    %swap3A_699 = arith.constant 0 : index
    %swap3A_700 = arith.constant 0 : index
    %swap3A_701 = vector.load %arg2[%swap3A_698, %swap3A_699, %swap3A_700] : memref<200x64x128xf32, #tpu.memory_space<vmem>>, vector<2x64x128xf32>
    tpu.vector_store %arg2[%swap3A_698, %swap3A_699, %swap3A_700], %reshape3A_697 {strides = array<i32>} : memref<200x64x128xf32, #tpu.memory_space<vmem>>, vector<2x64x128xf32>,
    %slice3A_702 = vector.extract_strided_slice %reshape3A {offsets = [0, 88, 0], sizes = [128, 1, 128], strides = [1, 1, 1]} : vector<128x100x128xf32> to vector<128x1x128xf32>
    %squeeze3A_703 = vector.shape_cast %slice3A_702 : vector<128x1x128xf32> to vector<128x128xf32>
    %transpose3A_704 = tpu.transpose %squeeze3A_703, [1, 0] : vector<128x128xf32> -> vector<128x128xf32>
    %reshape3A_705 = vector.shape_cast %transpose3A_704 : vector<128x128xf32> to vector<2x64x128xf32>
    %swap3A_706 = arith.constant 176 : index
    %swap3A_707 = arith.constant 0 : index
    %swap3A_708 = arith.constant 0 : index
    %swap3A_709 = vector.load %arg2[%swap3A_706, %swap3A_707, %swap3A_708] : memref<200x64x128xf32, #tpu.memory_space<vmem>>, vector<2x64x128xf32>
    tpu.vector_store %arg2[%swap3A_706, %swap3A_707, %swap3A_708], %reshape3A_705 {strides = array<i32>} : memref<200x64x128xf32, #tpu.memory_space<vmem>>, vector<2x64x128xf32>,
    %slice3A_710 = vector.extract_strided_slice %reshape3A {offsets = [0, 89, 0], sizes = [128, 1, 128], strides = [1, 1, 1]} : vector<128x100x128xf32> to vector<128x1x128xf32>
    %squeeze3A_711 = vector.shape_cast %slice3A_710 : vector<128x1x128xf32> to vector<128x128xf32>
    %transpose3A_712 = tpu.transpose %squeeze3A_711, [1, 0] : vector<128x128xf32> -> vector<128x128xf32>
    %reshape3A_713 = vector.shape_cast %transpose3A_712 : vector<128x128xf32> to vector<2x64x128xf32>
    %swap3A_714 = arith.constant 178 : index
    %swap3A_715 = arith.constant 0 : index
    %swap3A_716 = arith.constant 0 : index
    %swap3A_717 = vector.load %arg2[%swap3A_714, %swap3A_715, %swap3A_716] : memref<200x64x128xf32, #tpu.memory_space<vmem>>, vector<2x64x128xf32>
    tpu.vector_store %arg2[%swap3A_714, %swap3A_715, %swap3A_716], %reshape3A_713 {strides = array<i32>} : memref<200x64x128xf32, #tpu.memory_space<vmem>>, vector<2x64x128xf32>,
    %slice3A_718 = vector.extract_strided_slice %reshape3A {offsets = [0, 90, 0], sizes = [128, 1, 128], strides = [1, 1, 1]} : vector<128x100x128xf32> to vector<128x1x128xf32>
    %squeeze3A_719 = vector.shape_cast %slice3A_718 : vector<128x1x128xf32> to vector<128x128xf32>
    %transpose3A_720 = tpu.transpose %squeeze3A_719, [1, 0] : vector<128x128xf32> -> vector<128x128xf32>
    %reshape3A_721 = vector.shape_cast %transpose3A_720 : vector<128x128xf32> to vector<2x64x128xf32>
    %swap3A_722 = arith.constant 180 : index
    %swap3A_723 = arith.constant 0 : index
    %swap3A_724 = arith.constant 0 : index
    %swap3A_725 = vector.load %arg2[%swap3A_722, %swap3A_723, %swap3A_724] : memref<200x64x128xf32, #tpu.memory_space<vmem>>, vector<2x64x128xf32>
    tpu.vector_store %arg2[%swap3A_722, %swap3A_723, %swap3A_724], %reshape3A_721 {strides = array<i32>} : memref<200x64x128xf32, #tpu.memory_space<vmem>>, vector<2x64x128xf32>,
    %slice3A_726 = vector.extract_strided_slice %reshape3A {offsets = [0, 91, 0], sizes = [128, 1, 128], strides = [1, 1, 1]} : vector<128x100x128xf32> to vector<128x1x128xf32>
    %squeeze3A_727 = vector.shape_cast %slice3A_726 : vector<128x1x128xf32> to vector<128x128xf32>
    %transpose3A_728 = tpu.transpose %squeeze3A_727, [1, 0] : vector<128x128xf32> -> vector<128x128xf32>
    %reshape3A_729 = vector.shape_cast %transpose3A_728 : vector<128x128xf32> to vector<2x64x128xf32>
    %swap3A_730 = arith.constant 182 : index
    %swap3A_731 = arith.constant 0 : index
    %swap3A_732 = arith.constant 0 : index
    %swap3A_733 = vector.load %arg2[%swap3A_730, %swap3A_731, %swap3A_732] : memref<200x64x128xf32, #tpu.memory_space<vmem>>, vector<2x64x128xf32>
    tpu.vector_store %arg2[%swap3A_730, %swap3A_731, %swap3A_732], %reshape3A_729 {strides = array<i32>} : memref<200x64x128xf32, #tpu.memory_space<vmem>>, vector<2x64x128xf32>,
    %slice3A_734 = vector.extract_strided_slice %reshape3A {offsets = [0, 92, 0], sizes = [128, 1, 128], strides = [1, 1, 1]} : vector<128x100x128xf32> to vector<128x1x128xf32>
    %squeeze3A_735 = vector.shape_cast %slice3A_734 : vector<128x1x128xf32> to vector<128x128xf32>
    %transpose3A_736 = tpu.transpose %squeeze3A_735, [1, 0] : vector<128x128xf32> -> vector<128x128xf32>
    %reshape3A_737 = vector.shape_cast %transpose3A_736 : vector<128x128xf32> to vector<2x64x128xf32>
    %swap3A_738 = arith.constant 184 : index
    %swap3A_739 = arith.constant 0 : index
    %swap3A_740 = arith.constant 0 : index
    %swap3A_741 = vector.load %arg2[%swap3A_738, %swap3A_739, %swap3A_740] : memref<200x64x128xf32, #tpu.memory_space<vmem>>, vector<2x64x128xf32>
    tpu.vector_store %arg2[%swap3A_738, %swap3A_739, %swap3A_740], %reshape3A_737 {strides = array<i32>} : memref<200x64x128xf32, #tpu.memory_space<vmem>>, vector<2x64x128xf32>,
    %slice3A_742 = vector.extract_strided_slice %reshape3A {offsets = [0, 93, 0], sizes = [128, 1, 128], strides = [1, 1, 1]} : vector<128x100x128xf32> to vector<128x1x128xf32>
    %squeeze3A_743 = vector.shape_cast %slice3A_742 : vector<128x1x128xf32> to vector<128x128xf32>
    %transpose3A_744 = tpu.transpose %squeeze3A_743, [1, 0] : vector<128x128xf32> -> vector<128x128xf32>
    %reshape3A_745 = vector.shape_cast %transpose3A_744 : vector<128x128xf32> to vector<2x64x128xf32>
    %swap3A_746 = arith.constant 186 : index
    %swap3A_747 = arith.constant 0 : index
    %swap3A_748 = arith.constant 0 : index
    %swap3A_749 = vector.load %arg2[%swap3A_746, %swap3A_747, %swap3A_748] : memref<200x64x128xf32, #tpu.memory_space<vmem>>, vector<2x64x128xf32>
    tpu.vector_store %arg2[%swap3A_746, %swap3A_747, %swap3A_748], %reshape3A_745 {strides = array<i32>} : memref<200x64x128xf32, #tpu.memory_space<vmem>>, vector<2x64x128xf32>,
    %slice3A_750 = vector.extract_strided_slice %reshape3A {offsets = [0, 94, 0], sizes = [128, 1, 128], strides = [1, 1, 1]} : vector<128x100x128xf32> to vector<128x1x128xf32>
    %squeeze3A_751 = vector.shape_cast %slice3A_750 : vector<128x1x128xf32> to vector<128x128xf32>
    %transpose3A_752 = tpu.transpose %squeeze3A_751, [1, 0] : vector<128x128xf32> -> vector<128x128xf32>
    %reshape3A_753 = vector.shape_cast %transpose3A_752 : vector<128x128xf32> to vector<2x64x128xf32>
    %swap3A_754 = arith.constant 188 : index
    %swap3A_755 = arith.constant 0 : index
    %swap3A_756 = arith.constant 0 : index
    %swap3A_757 = vector.load %arg2[%swap3A_754, %swap3A_755, %swap3A_756] : memref<200x64x128xf32, #tpu.memory_space<vmem>>, vector<2x64x128xf32>
    tpu.vector_store %arg2[%swap3A_754, %swap3A_755, %swap3A_756], %reshape3A_753 {strides = array<i32>} : memref<200x64x128xf32, #tpu.memory_space<vmem>>, vector<2x64x128xf32>,
    %slice3A_758 = vector.extract_strided_slice %reshape3A {offsets = [0, 95, 0], sizes = [128, 1, 128], strides = [1, 1, 1]} : vector<128x100x128xf32> to vector<128x1x128xf32>
    %squeeze3A_759 = vector.shape_cast %slice3A_758 : vector<128x1x128xf32> to vector<128x128xf32>
    %transpose3A_760 = tpu.transpose %squeeze3A_759, [1, 0] : vector<128x128xf32> -> vector<128x128xf32>
    %reshape3A_761 = vector.shape_cast %transpose3A_760 : vector<128x128xf32> to vector<2x64x128xf32>
    %swap3A_762 = arith.constant 190 : index
    %swap3A_763 = arith.constant 0 : index
    %swap3A_764 = arith.constant 0 : index
    %swap3A_765 = vector.load %arg2[%swap3A_762, %swap3A_763, %swap3A_764] : memref<200x64x128xf32, #tpu.memory_space<vmem>>, vector<2x64x128xf32>
    tpu.vector_store %arg2[%swap3A_762, %swap3A_763, %swap3A_764], %reshape3A_761 {strides = array<i32>} : memref<200x64x128xf32, #tpu.memory_space<vmem>>, vector<2x64x128xf32>,
    %slice3A_766 = vector.extract_strided_slice %reshape3A {offsets = [0, 96, 0], sizes = [128, 1, 128], strides = [1, 1, 1]} : vector<128x100x128xf32> to vector<128x1x128xf32>
    %squeeze3A_767 = vector.shape_cast %slice3A_766 : vector<128x1x128xf32> to vector<128x128xf32>
    %transpose3A_768 = tpu.transpose %squeeze3A_767, [1, 0] : vector<128x128xf32> -> vector<128x128xf32>
    %reshape3A_769 = vector.shape_cast %transpose3A_768 : vector<128x128xf32> to vector<2x64x128xf32>
    %swap3A_770 = arith.constant 192 : index
    %swap3A_771 = arith.constant 0 : index
    %swap3A_772 = arith.constant 0 : index
    %swap3A_773 = vector.load %arg2[%swap3A_770, %swap3A_771, %swap3A_772] : memref<200x64x128xf32, #tpu.memory_space<vmem>>, vector<2x64x128xf32>
    tpu.vector_store %arg2[%swap3A_770, %swap3A_771, %swap3A_772], %reshape3A_769 {strides = array<i32>} : memref<200x64x128xf32, #tpu.memory_space<vmem>>, vector<2x64x128xf32>,
    %slice3A_774 = vector.extract_strided_slice %reshape3A {offsets = [0, 97, 0], sizes = [128, 1, 128], strides = [1, 1, 1]} : vector<128x100x128xf32> to vector<128x1x128xf32>
    %squeeze3A_775 = vector.shape_cast %slice3A_774 : vector<128x1x128xf32> to vector<128x128xf32>
    %transpose3A_776 = tpu.transpose %squeeze3A_775, [1, 0] : vector<128x128xf32> -> vector<128x128xf32>
    %reshape3A_777 = vector.shape_cast %transpose3A_776 : vector<128x128xf32> to vector<2x64x128xf32>
    %swap3A_778 = arith.constant 194 : index
    %swap3A_779 = arith.constant 0 : index
    %swap3A_780 = arith.constant 0 : index
    %swap3A_781 = vector.load %arg2[%swap3A_778, %swap3A_779, %swap3A_780] : memref<200x64x128xf32, #tpu.memory_space<vmem>>, vector<2x64x128xf32>
    tpu.vector_store %arg2[%swap3A_778, %swap3A_779, %swap3A_780], %reshape3A_777 {strides = array<i32>} : memref<200x64x128xf32, #tpu.memory_space<vmem>>, vector<2x64x128xf32>,
    %slice3A_782 = vector.extract_strided_slice %reshape3A {offsets = [0, 98, 0], sizes = [128, 1, 128], strides = [1, 1, 1]} : vector<128x100x128xf32> to vector<128x1x128xf32>
    %squeeze3A_783 = vector.shape_cast %slice3A_782 : vector<128x1x128xf32> to vector<128x128xf32>
    %transpose3A_784 = tpu.transpose %squeeze3A_783, [1, 0] : vector<128x128xf32> -> vector<128x128xf32>
    %reshape3A_785 = vector.shape_cast %transpose3A_784 : vector<128x128xf32> to vector<2x64x128xf32>
    %swap3A_786 = arith.constant 196 : index
    %swap3A_787 = arith.constant 0 : index
    %swap3A_788 = arith.constant 0 : index
    %swap3A_789 = vector.load %arg2[%swap3A_786, %swap3A_787, %swap3A_788] : memref<200x64x128xf32, #tpu.memory_space<vmem>>, vector<2x64x128xf32>
    tpu.vector_store %arg2[%swap3A_786, %swap3A_787, %swap3A_788], %reshape3A_785 {strides = array<i32>} : memref<200x64x128xf32, #tpu.memory_space<vmem>>, vector<2x64x128xf32>,
    %slice3A_790 = vector.extract_strided_slice %reshape3A {offsets = [0, 99, 0], sizes = [128, 1, 128], strides = [1, 1, 1]} : vector<128x100x128xf32> to vector<128x1x128xf32>
    %squeeze3A_791 = vector.shape_cast %slice3A_790 : vector<128x1x128xf32> to vector<128x128xf32>
    %transpose3A_792 = tpu.transpose %squeeze3A_791, [1, 0] : vector<128x128xf32> -> vector<128x128xf32>
    %reshape3A_793 = vector.shape_cast %transpose3A_792 : vector<128x128xf32> to vector<2x64x128xf32>
    %swap3A_794 = arith.constant 198 : index
    %swap3A_795 = arith.constant 0 : index
    %swap3A_796 = arith.constant 0 : index
    %swap3A_797 = vector.load %arg2[%swap3A_794, %swap3A_795, %swap3A_796] : memref<200x64x128xf32, #tpu.memory_space<vmem>>, vector<2x64x128xf32>
    tpu.vector_store %arg2[%swap3A_794, %swap3A_795, %swap3A_796], %reshape3A_793 {strides = array<i32>} : memref<200x64x128xf32, #tpu.memory_space<vmem>>, vector<2x64x128xf32>,
    return
  }
  func.func @transform_0(%arg0: i32) -> (i32, i32) {
    %c0_i32 = arith.constant 0 : i32
    %c0_i32_0 = arith.constant 0 : i32
    return %arg0, %c0_i32 : i32, i32
  }
  func.func @transform_1(%arg0: i32) -> (i32, i32, i32) {
    %c0_i32 = arith.constant 0 : i32
    %c0_i32_0 = arith.constant 0 : i32
    %c0_i32_1 = arith.constant 0 : i32
    return %c0_i32, %c0_i32_0, %arg0 : i32, i32, i32
  }
}

</mosaic_0001>

<sc_bundles>
// kernel: _embed.4.cloned.1.call-start
scs
__scs_entry_jumppad:
0x0: {  	(pc) =	sbr.rel $0x88, $3  }
0x1: {  	(tag) =	ssettag $0x0;
	lr =	simm.s32 $0x1  }
0x2: {  	[smem:$0x3F9F] =	sst lr;
	_ =	strace $0xD0000000  }
0x3: {  	_ = 	snop  }
0x4: {  	_ = 	snop  }
0x5: {  	_ = 	snop  }
0x6: {  	_ = 	snop  }
0x7: {  	_ = 	snop  }
__scs_overlays_trampoline_lowered:
0x8: {  	[smem:$0x3FAE] =	sst s0  }
0x9: {  	[smem:$0x3FAF] =	sst s1  }
0xa: {  	[smem:$0x3FB0] =	sst s2  }
0xb: {  	[smem:$0x3FB1] =	sst s3  }
0xc: {  	[smem:$0x3FB2] =	sst s4  }
0xd: {  	[smem:$0x3FB3] =	sst s5  }
0xe: {  	[smem:$0x3FB4] =	sst s6  }
0xf: {  	[smem:$0x3FB5] =	sst s7  }
0x10: {  	[smem:$0x3FB6] =	sst s8  }
0x11: {  	[smem:$0x3FB7] =	sst s9;
	s0 =	simm.s32 @!p0 $0x0  }
0x12: {  	s1 =	sld [smem:$0x3F9D];
	s0 =	simm.s32 @p0 $0x1  }
0x13: {  	[smem:$0x3FB8] =	sst s0;
	s0 =	simm.s32 @!p1 $0x0  }
0x14: {  	s2 =	sld [smem:$0x3F9C];
	s0 =	simm.s32 @p1 $0x1  }
0x15: {  	[smem:$0x3FB9] =	sst s0;
	s0 =	simm.s32 @!p2 $0x0  }
0x16: {  	s3 =	sld [smem:$0x3FDB];
	s0 =	simm.s32 @p2 $0x1  }
0x17: {  	s4 =	simm.s32 $0x1BF5;
	[smem:$0x3FBB] =	sst s0  }
0x18: {  	s0 =	sld [smem:$0x3F9E];
	_ =	swait.ge [sflag:s4], $0x0  }
0x19: {  	s7 =	sld [smem:$0x3F9F]  }
0x1a: {  	s8 =	sadd.s32 $0xFFFFE003, lr  }
0x1b: {  	s9 =	sadd.s32 $0xFFFFFEF7, lr;
	s5 =	simm.s32 $0xFFFFFFFF;
	p2 =	slt.u32 s8, $0xFFFFF086  }
0x1c: {  	p1 =	slt.u32 s9, $0xF7A;
	s5 =	simm.s32 @!p2 $0x0  }
0x1d: {  	s5 =	simm.s32 @p1 $0x1;
	p0 =	seq.s32 s7, s2  }
0x1e: {  	s7 =	smul.u32 @!p0 $0xF7A, s2;
	p2 =	seq.s32 @!p0 s5, $0x0  }
0x1f: {  	s9 =	smul.u32 $0xF7A, s1;
	s8 =	simm.s32 @!p0 $0x1BF5;
	p2 =	por !p2, p0  }
0x20: {  	[sflag:s8] =	ssyncset.s32 @!p0 $0xFFFFF086;
	s6 =	sadd.s32 @!p0 s3, s7;
	s7 =	simm.s32 @!p0 $0x108  }
0x21: {  	s3 =	sadd.s32 s3, s9;
	s6 =	sadd.s32 @!p0 $0x88, s6;
	s7 =	simm.s32 @p2 $0x1082  }
0x22: {  	[simem:s7], [sflag:s8] =	dma.local @!p0 [hbm:s6], $0xF7A  }
0x23: {  	s9 =	sor.u32 $0xD0000000, s2;
	s6 =	simm.s32 $0x108;
	_ =	swait.ge @!p0 [sflag:s8], $0x0  }
0x24: {  	s3 =	sadd.s32 $0x88, s3;
	s6 =	simm.s32 @!p1 $0x1082;
	[sflag:s4] =	ssyncset.s32 $0xFFFFF086  }
0x25: {  	[simem:s6], [sflag:s4] =	dma.local [hbm:s3], $0xF7A  }
0x26: {  	[smem:$0x3F9F] =	sst s1;
	(tag) =	ssettag s2;
	_ =	strace s9  }
0x27: {  	s1 =	sld [smem:$0x3FAF]  }
0x28: {  	s2 =	sld [smem:$0x3FB0]  }
0x29: {  	s4 =	sld [smem:$0x3FB2]  }
0x2a: {  	p0 =	seq.s32 s5, $0x0;
	s5 =	sld [smem:$0x3FB3]  }
0x2b: {  	s6 =	sld [smem:$0x3FB4]  }
0x2c: {  	s7 =	sld [smem:$0x3FB5]  }
0x2d: {  	s3 =	simm.s32 $0x108;
	s8 =	sld [smem:$0x3FB6]  }
0x2e: {  	s3 =	simm.s32 @!p0 $0x1082;
	s9 =	sld [smem:$0x3FB7]  }
0x2f: {  	lr =	sadd.s32 s0, s3;
	s0 =	sld [smem:$0x3FAE]  }
0x30: {  	s3 =	sld [smem:$0x3FB1]  }
0x31: {  	[smem:$0x3FBA] =	sst s10  }
0x32: {  	s10 =	sld [smem:$0x3FB8];
	_ =	sdelay $0x3  }
0x33: {  	p0 =	seq.s32 s10, $0x1;
	s10 =	sld [smem:$0x3FBA];
	_ =	sdelay $0x3  }
0x34: {  	[smem:$0x3FBA] =	sst s10  }
0x35: {  	s10 =	sld [smem:$0x3FB9];
	_ =	sdelay $0x3  }
0x36: {  	p1 =	seq.s32 s10, $0x1;
	s10 =	sld [smem:$0x3FBA];
	_ =	sdelay $0x3  }
0x37: {  	[smem:$0x3FBA] =	sst s10  }
0x38: {  	s10 =	sld [smem:$0x3FBB]  }
0x39: {  	_ = 	snop;
	(pc) =	sbr.ind lr, $3  }
0x3a: {  	_ = 	snop  }
0x3b: {  	_ = 	snop  }
0x3c: {  	p2 =	seq.s32 s10, $0x1;
	s10 =	sld [smem:$0x3FBA]  }
0x3d: {  	_ =	shalt  }
0x3e: {  	_ =	shalt  }
0x3f: {  	_ =	shalt  }
0x40: {  	_ =	shalt  }
0x41: {  	_ =	shalt  }
0x42: {  	_ =	shalt  }
0x43: {  	_ =	shalt  }
0x44: {  	_ =	shalt  }
0x45: {  	_ =	shalt  }
0x46: {  	_ =	shalt  }
0x47: {  	_ =	shalt  }
0x48: {  	_ =	shalt  }
0x49: {  	_ =	shalt  }
0x4a: {  	_ =	shalt  }
0x4b: {  	_ =	shalt  }
0x4c: {  	_ =	shalt  }
0x4d: {  	_ =	shalt  }
0x4e: {  	_ =	shalt  }
0x4f: {  	_ =	shalt  }
0x50: {  	_ =	shalt  }
0x51: {  	_ =	shalt  }
0x52: {  	_ =	shalt  }
0x53: {  	_ =	shalt  }
0x54: {  	_ =	shalt  }
0x55: {  	_ =	shalt  }
0x56: {  	_ =	shalt  }
0x57: {  	_ =	shalt  }
0x58: {  	_ =	shalt  }
0x59: {  	_ =	shalt  }
0x5a: {  	_ =	shalt  }
0x5b: {  	_ =	shalt  }
0x5c: {  	_ =	shalt  }
0x5d: {  	_ =	shalt  }
0x5e: {  	_ =	shalt  }
0x5f: {  	_ =	shalt  }
0x60: {  	_ =	shalt  }
0x61: {  	_ =	shalt  }
0x62: {  	_ =	shalt  }
0x63: {  	_ =	shalt  }
0x64: {  	_ =	shalt  }
0x65: {  	_ =	shalt  }
0x66: {  	_ =	shalt  }
0x67: {  	_ =	shalt  }
0x68: {  	_ =	shalt  }
0x69: {  	_ =	shalt  }
0x6a: {  	_ =	shalt  }
0x6b: {  	_ =	shalt  }
0x6c: {  	_ =	shalt  }
0x6d: {  	_ =	shalt  }
0x6e: {  	_ =	shalt  }
0x6f: {  	_ =	shalt  }
0x70: {  	_ =	shalt  }
0x71: {  	_ =	shalt  }
0x72: {  	_ =	shalt  }
0x73: {  	_ =	shalt  }
0x74: {  	_ =	shalt  }
0x75: {  	_ =	shalt  }
0x76: {  	_ =	shalt  }
0x77: {  	_ =	shalt  }
0x78: {  	_ =	shalt  }
0x79: {  	_ =	shalt  }
0x7a: {  	_ =	shalt  }
0x7b: {  	_ =	shalt  }
0x7c: {  	_ =	shalt  }
0x7d: {  	_ =	shalt  }
0x7e: {  	_ =	shalt  }
0x7f: {  	_ =	shalt  }
0x80: {  	_ =	shalt  }
0x81: {  	_ =	shalt  }
0x82: {  	_ =	shalt  }
0x83: {  	_ =	shalt  }
0x84: {  	_ =	shalt  }
0x85: {  	_ =	shalt  }
0x86: {  	_ =	shalt  }
0x87: {  	_ =	shalt  }
.Lfunc_end0:
.L_simem_size_0:
called_computation_lowered:
.L_overlay_start_0:
0x88: {  	s2 =	sld [smem:$0x3FD9]  }
0x89: {  	s3 =	sld [smem:$0x3FFE];
	_ =	sdelay $0x1  }
0x8a: {  	s1 =	srdreg.scid  }
0x8b: {  	s0 =	sand.u32 $0x1, s1  }
0x8c: {  	s17 =	sshll.u32 s0, $0xA;
	s2 =	sadd.s32 s3, s2  }
0x8d: {  	s2 =	sadd.s32 s2, s17  }
0x8e: {  	[smem:$0x3FC6] =	sst s2  }
0x8f: {  	_ = 	snop  }
0x90: {  	s2 =	sld [smem:$0x3FD0];
	(tm) =	ssettm $0x1  }
0x91: {  	s18 =	sld [smem:$0x3FFB];
	_ =	sdelay $0x3  }
0x92: {  	_ =	strace s18  }
0x93: {  	s3 =	sld [smem:$0x3FFC];
	_ =	sdelay $0x3  }
0x94: {  	_ =	strace s3  }
0x95: {  	s3 =	sld [smem:$0x3FFD];
	_ =	sdelay $0x3  }
0x96: {  	_ =	strace s3  }
0x97: {  	_ =	strace $0x8FFFFFFF  }
0x98: {  	s19 =	sld [smem:$0x3FDB];
	_ =	sdelay $0x1  }
0x99: {  	s4 =	simm.s32 $_scs_section_size  }
0x9a: {  	s5 =	simm.s32 $_size__tile_overlayer_lowered;
	s6 =	simm.s32 $_tile_overlayer_lowered  }
0x9b: {  	s22 =	simm.s32 $0x1BFF;
	s21 =	sshll.u32 s6, $0x1;
	s3 =	sadd.s32 s4, s19  }
0x9c: {  	s7 =	simm.s32 $0x0;
	s20 =	sshll.u32 s5, $0x1;
	s5 =	sadd.s32 s21, s3  }
0x9d: {  	[timem:s7], [sflag:s22] =	dma.local [hbm:s5], s20  }
0x9e: {  	_ =	swait.ge [sflag:s22], s20  }
0x9f: {  	s4 =	ssub.s32 $0x0, s20;
	[sflag:s22] =	ssyncset.done $0x0  }
0xa0: {  	[sflag:s22] =	ssyncadd.s32 s4;
	_ =	sdelay $0x1  }
0xa1: {  	s23 =	simm.s32 $0x1B8B  }
0xa2: {  	_ =	swait.ge [sflag:s23], $0x1  }
0xa3: {  	[sflag:s23] =	ssyncset.done $0x0  }
0xa4: {  	s25 =	simm.s32 $0x1B8E;
	s24 =	sld [smem:$0x3FFE];
	[sflag:s23] =	ssyncadd.s32 $0xFFFFFFFF  }
0xa5: {  	s26 =	simm.s32 $execute0_lowered;
	[smem:$0x3FD2] =	sst s25  }
0xa6: {  	s5 =	sshll.u32 s26, $0x1;
	_ =	strace $0x80000046;
	[dreg:$0x1] =	wrdreg $0xFFFFFFFF  }
0xa7: {  	s28 =	simm.s32 $_size_execute0_lowered;
	s3 =	sadd.s32 s3, s5;
	[dreg:$0x0] =	wrdreg $0x0  }
0xa8: {  	s5 =	sshll.u32 s28, $0x1;
	[dreg:$0x2] =	wrdreg s3  }
0xa9: {  	[dreg:$0x3] =	wrdreg s5  }
0xaa: {  	[dreg:$0x4] =	wrdreg $0xC0  }
0xab: {  	_ =	task [dreg:s7], $0x5FFFF  }
0xac: {  	[dreg:$0x1] =	wrdreg $0xFFFFFFFF  }
0xad: {  	[dreg:$0x0] =	wrdreg $0x60  }
0xae: {  	[dreg:$0x2] =	wrdreg s2  }
0xaf: {  	[dreg:$0x3] =	wrdreg s24  }
0xb0: {  	[dreg:$0x4] =	wrdreg $0x9  }
0xb1: {  	_ =	task.clear_ibuf [dreg:s7], $0x5FFFF;
	_ =	strace $0x90000046  }
0xb2: {  	s29 =	simm.s32 $0x9;
	_ =	strace $0x80000048  }
0xb3: {  	_ =	swait.ge [sflag:s29], $0x1  }
0xb4: {  	[sflag:s29] =	ssyncadd.s32 $0xFFFFFFFF  }
0xb5: {  	_ =	strace $0x90000048  }
0xb6: {  	_ =	sfence  }
0xb7: {  	s30 =	sld [smem:$0x0];
	_ =	sdelay $0x2  }
0xb8: {  	s31 =	sshll.u32 s1, $0xD;
	s1 =	sshrl.u32 s1, $0x2  }
0xb9: {  	s3 =	sand.u32 $0x4000, s31;
	s1 =	sadd.s32 s1, s30  }
0xba: {  	s0 =	sor.u32 s3, s0;
	s1 =	sshll.u32 s1, $0x11  }
0xbb: {  	s0 =	sor.u32 s1, s0  }
0xbc: {  	s0 =	sadd.s32 $0x8F2B, s0  }
0xbd: {  	[sflag:s0] =	ssyncadd.remote.s32 $0x1  }
0xbe: {  	_ =	sfence.sel $0xFFFF  }
0xbf: {  	[dreg:$0x0] =	wrdreg $0xFFFFFFFF;
	(pc) =	sbr.abs _section_cstart, $3  }
0xc0: {  	[dreg:$0x1] =	wrdreg $0xFFFFFFFF  }
0xc1: {  	_ =	task.clear_ibuf [dreg:s7], $0x2FFFF;
	_ =	strace $0x9FFFFFFF  }
0xc2: {  	(tm) =	ssettm $0x7FFFFFFF  }
0xc3: {  	_ =	shalt  }
tec
execute0_lowered:
.L_overlay_start_1:
0x0: {  	(tag) =	ssettag $0x1  }
0x1: {  	s4 =	rddreg [dreg:$0x0];
	s1 =	srdreg.scid  }
0x2: {  	s0 =	stileid.u32;
	s5 =	rddreg [dreg:$0x1]  }
0x3: {  	s2 =	simm.s32 $0x0;
	s15 =	simm.s32 $0x100;
	s16 =	simm.s32 $0x6400  }
0x4: {  	s17 =	simm.s32 $0xA400;
	s18 =	simm.s32 $0x200;
	s19 =	simm.s32 $0xE400  }
0x5: {  	s20 =	simm.s32 $0x300;
	s21 =	simm.s32 $0x12400;
	s11 =	smul.u32 $0x320000, s0  }
0x6: {  	s22 =	simm.s32 $0x1;
	s6 =	sand.u32 $0x1, s1;
	s23 =	smul.u32 $0xC800, s0  }
0x7: {  	s3 =	sshll.u32 s0, $0x1;
	[smem:$0x7FF] =	sst s2;
	s26 =	smul.u32 $0x6400, s6  }
0x8: {  	s12 =	sadd.s32 $0x600, s5;
	s3 =	sor.u32 s6, s3;
	s14 =	smul.u32 $0x190000, s6  }
0x9: {  	_ =	strace $0x80000047;
	s8 =	ssub.s32 $0x2, s6;
	s7 =	smul.u32 $0x6400, s3  }
0xa: {  	s9 =	smul.u32 $0x190000, s3;
	s3 =	sadd.s32 $0xF42A00, s5;
	s10 =	sshrl.u32 s8, $0x1  }
0xb: {  	s10 =	ssub.s32 s8, s10;
	s8 =	sadd.s32 s26, s23;
	s28 =	sadd.s32 s14, s11  }
0xc: {  	s14 =	simm.s32 $0x5;
	s23 =	simm.s32 $0x2;
	s26 =	simm.s32 $0x0  }
0xd: {  	s24 =	sshrl.u32 s7, $0x3;
	s25 =	sshrl.u32 s9, $0x3;
	s29 =	sshll.u32 s8, $0x3  }
0xe: {  	s30 =	sshrl.u32 s28, $0x3;
	s9 =	smax.u32 s10, $0x1;
	s4 =	sadd.s32 s4, s24  }
0xf: {  	s13 =	sadd.s32 s12, s25;
	s31 =	sadd.s32 s29, s12;
	s10 =	sadd.s32 s30, s12  }
0x10: {  	s24 =	simm.s32 $0x3;
	s25 =	simm.s32 $0x4;
	s5 =	sadd.s32 $0x30000, s13  }
0x11: {  	s6 =	sadd.s32 $0x30800, s13;
	s7 =	sadd.s32 $0x31000, s13;
	s8 =	sadd.s32 $0x31800, s13  }
0x12: {  	s11 =	sadd.s32 $0x1800, s31;
	s12 =	sadd.s32 $0x1000, s31;
	s13 =	sadd.s32 $0x800, s31  }
.LBB2_1:
0x13: {  	[tilespmem:s2], [sflag:$0x5] =	stream.linear.gather [hbm4b:s4+s2], $0x6400, $0x38;
	[tilespmem:$0x16400] =	vst v63  }
0x14: {  	_ =	swait.ge [sflag:s14], $0x6400  }
0x15: {  	[sflag:s14] =	ssyncset.done $0x0  }
0x16: {  	[sflag:s14] =	ssyncadd.s32 $0xFFFF9C00  }
0x17: {  	[tilespmem:s16], [sflag:$0x1] =	stream.indirect.gather [hbm4b:s3+s15], $0x40, s2, s15, $0xb8;
	[tilespmem:$0x16400] =	vst v63  }
0x18: {  	_ = 	snop  }
0x19: {  	[tilespmem:s17], [sflag:$0x2] =	stream.indirect.gather [hbm4b:s3+s15], $0x40, s15, s15, $0xb8;
	[tilespmem:$0x16400] =	vst v63  }
0x1a: {  	_ = 	snop  }
0x1b: {  	[tilespmem:s19], [sflag:$0x3] =	stream.indirect.gather [hbm4b:s3+s15], $0x40, s18, s15, $0xb8;
	[tilespmem:$0x16400] =	vst v63  }
0x1c: {  	_ = 	snop  }
0x1d: {  	[tilespmem:s21], [sflag:$0x4] =	stream.indirect.gather [hbm4b:s3+s15], $0x40, s20, s15, $0xb8;
	[tilespmem:$0x16400] =	vst v63  }
0x1e: {  	_ =	swait.ge [sflag:s22], $0x4000  }
0x1f: {  	[sflag:s22] =	ssyncset.done $0x0  }
0x20: {  	s28 =	sadd.s32 $0x0, s10;
	[sflag:s22] =	ssyncadd.s32 $0xFFFFC000  }
0x21: {  	[hbm4b:s28+s2] =	stream.linear.scatter [tilespmem:s16], [sflag:$0x5], $0x4000, $0x38;
	[tilespmem:$0x16400] =	vst v63  }
0x22: {  	_ =	swait.ge [sflag:s14], $0x4000  }
0x23: {  	[sflag:s14] =	ssyncset.done $0x0  }
0x24: {  	s28 =	simm.s32 $0x400;
	[sflag:s14] =	ssyncadd.s32 $0xFFFFC000  }
0x25: {  	[tilespmem:s16], [sflag:$0x1] =	stream.indirect.gather [hbm4b:s3+s15], $0x40, s28, s15, $0xb8;
	[tilespmem:$0x16400] =	vst v63  }
0x26: {  	_ =	swait.ge [sflag:s23], $0x4000  }
0x27: {  	[sflag:s23] =	ssyncset.done $0x0  }
0x28: {  	s28 =	sadd.s32 $0x0, s13;
	[sflag:s23] =	ssyncadd.s32 $0xFFFFC000  }
0x29: {  	[hbm4b:s28+s2] =	stream.linear.scatter [tilespmem:s17], [sflag:$0x5], $0x4000, $0x38;
	[tilespmem:$0x16400] =	vst v63  }
0x2a: {  	_ =	swait.ge [sflag:s14], $0x4000  }
0x2b: {  	[sflag:s14] =	ssyncset.done $0x0  }
0x2c: {  	s28 =	simm.s32 $0x500;
	[sflag:s14] =	ssyncadd.s32 $0xFFFFC000  }
0x2d: {  	[tilespmem:s17], [sflag:$0x2] =	stream.indirect.gather [hbm4b:s3+s15], $0x40, s28, s15, $0xb8;
	[tilespmem:$0x16400] =	vst v63  }
0x2e: {  	_ =	swait.ge [sflag:s24], $0x4000  }
0x2f: {  	[sflag:s24] =	ssyncset.done $0x0  }
0x30: {  	s28 =	sadd.s32 $0x0, s12;
	[sflag:s24] =	ssyncadd.s32 $0xFFFFC000  }
0x31: {  	[hbm4b:s28+s2] =	stream.linear.scatter [tilespmem:s19], [sflag:$0x5], $0x4000, $0x38;
	[tilespmem:$0x16400] =	vst v63  }
0x32: {  	_ =	swait.ge [sflag:s14], $0x4000  }
0x33: {  	[sflag:s14] =	ssyncset.done $0x0  }
0x34: {  	s28 =	simm.s32 $0x600;
	[sflag:s14] =	ssyncadd.s32 $0xFFFFC000  }
0x35: {  	[tilespmem:s19], [sflag:$0x3] =	stream.indirect.gather [hbm4b:s3+s15], $0x40, s28, s15, $0xb8;
	[tilespmem:$0x16400] =	vst v63  }
0x36: {  	_ =	swait.ge [sflag:s25], $0x4000  }
0x37: {  	[sflag:s25] =	ssyncset.done $0x0  }
0x38: {  	s28 =	sadd.s32 $0x0, s11;
	[sflag:s25] =	ssyncadd.s32 $0xFFFFC000  }
0x39: {  	[hbm4b:s28+s2] =	stream.linear.scatter [tilespmem:s21], [sflag:$0x5], $0x4000, $0x38;
	[tilespmem:$0x16400] =	vst v63  }
0x3a: {  	_ =	swait.ge [sflag:s14], $0x4000  }
0x3b: {  	s29 =	simm.s32 $0x2000;
	[sflag:s14] =	ssyncset.done $0x0  }
0x3c: {  	s30 =	simm.s32 $0xB00;
	s28 =	simm.s32 $0x700;
	[sflag:s14] =	ssyncadd.s32 $0xFFFFC000  }
.LBB2_2:
0x3d: {  	[tilespmem:s21], [sflag:$0x4] =	stream.indirect.gather [hbm4b:s3+s15], $0x40, s28, s15, $0xb8;
	[tilespmem:$0x16400] =	vst v63  }
0x3e: {  	s31 =	smov.u32 s29;
	s28 =	smov.u32 s30  }
0x3f: {  	p0 =	sne.s32 s29, $0x2E000;
	s29 =	sadd.s32 $0x2000, s29;
	_ =	swait.ge [sflag:s22], $0x4000  }
0x40: {  	[sflag:s22] =	ssyncset.done $0x0  }
0x41: {  	s1 =	sadd.s32 s31, s10;
	[sflag:s22] =	ssyncadd.s32 $0xFFFFC000  }
0x42: {  	[hbm4b:s1+s2] =	stream.linear.scatter [tilespmem:s16], [sflag:$0x5], $0x4000, $0x38;
	[tilespmem:$0x16400] =	vst v63  }
0x43: {  	_ =	swait.ge [sflag:s14], $0x4000  }
0x44: {  	[sflag:s14] =	ssyncset.done $0x0  }
0x45: {  	s1 =	sadd.s32 $0xFFFFFD00, s30;
	[sflag:s14] =	ssyncadd.s32 $0xFFFFC000  }
0x46: {  	[tilespmem:s16], [sflag:$0x1] =	stream.indirect.gather [hbm4b:s3+s15], $0x40, s1, s15, $0xb8;
	[tilespmem:$0x16400] =	vst v63  }
0x47: {  	_ =	swait.ge [sflag:s23], $0x4000  }
0x48: {  	[sflag:s23] =	ssyncset.done $0x0  }
0x49: {  	s1 =	sadd.s32 s31, s13;
	[sflag:s23] =	ssyncadd.s32 $0xFFFFC000  }
0x4a: {  	[hbm4b:s1+s2] =	stream.linear.scatter [tilespmem:s17], [sflag:$0x5], $0x4000, $0x38;
	[tilespmem:$0x16400] =	vst v63  }
0x4b: {  	_ =	swait.ge [sflag:s14], $0x4000  }
0x4c: {  	[sflag:s14] =	ssyncset.done $0x0  }
0x4d: {  	s1 =	sadd.s32 $0xFFFFFE00, s30;
	[sflag:s14] =	ssyncadd.s32 $0xFFFFC000  }
0x4e: {  	[tilespmem:s17], [sflag:$0x2] =	stream.indirect.gather [hbm4b:s3+s15], $0x40, s1, s15, $0xb8;
	[tilespmem:$0x16400] =	vst v63  }
0x4f: {  	_ =	swait.ge [sflag:s24], $0x4000  }
0x50: {  	[sflag:s24] =	ssyncset.done $0x0  }
0x51: {  	s1 =	sadd.s32 s31, s12;
	[sflag:s24] =	ssyncadd.s32 $0xFFFFC000  }
0x52: {  	[hbm4b:s1+s2] =	stream.linear.scatter [tilespmem:s19], [sflag:$0x5], $0x4000, $0x38;
	[tilespmem:$0x16400] =	vst v63  }
0x53: {  	_ =	swait.ge [sflag:s14], $0x4000  }
0x54: {  	[sflag:s14] =	ssyncset.done $0x0  }
0x55: {  	s1 =	sadd.s32 $0xFFFFFF00, s30;
	[sflag:s14] =	ssyncadd.s32 $0xFFFFC000  }
0x56: {  	[tilespmem:s19], [sflag:$0x3] =	stream.indirect.gather [hbm4b:s3+s15], $0x40, s1, s15, $0xb8;
	[tilespmem:$0x16400] =	vst v63  }
0x57: {  	_ =	swait.ge [sflag:s25], $0x4000  }
0x58: {  	[sflag:s25] =	ssyncset.done $0x0  }
.Ltmp0:
0x59: {  	s1 =	sadd.s32 s31, s11;
	[sflag:s25] =	ssyncadd.s32 $0xFFFFC000;
	(pc) =	sbr.rel @p0 .LBB2_2-.Ltmp0, $4  }
0x5a: {  	[hbm4b:s1+s2] =	stream.linear.scatter [tilespmem:s21], [sflag:$0x5], $0x4000, $0x38;
	[tilespmem:$0x16400] =	vst v63  }
0x5b: {  	_ =	swait.ge [sflag:s14], $0x4000  }
0x5c: {  	[sflag:s14] =	ssyncset.done $0x0  }
0x5d: {  	s30 =	sadd.s32 $0x400, s30;
	[sflag:s14] =	ssyncadd.s32 $0xFFFFC000  }
0x5e: {  	[tilespmem:s21], [sflag:$0x4] =	stream.indirect.gather [hbm4b:s3+s15], $0x40, s28, s15, $0xb8;
	[tilespmem:$0x16400] =	vst v63  }
0x5f: {  	_ =	swait.ge [sflag:s22], $0x4000  }
0x60: {  	[sflag:s22] =	ssyncset.done $0x0  }
0x61: {  	[sflag:s22] =	ssyncadd.s32 $0xFFFFC000  }
0x62: {  	[hbm4b:s5+s2] =	stream.linear.scatter [tilespmem:s16], [sflag:$0x5], $0x4000, $0x38;
	[tilespmem:$0x16400] =	vst v63  }
0x63: {  	_ =	swait.ge [sflag:s14], $0x4000  }
0x64: {  	[sflag:s14] =	ssyncset.done $0x0  }
0x65: {  	[sflag:s14] =	ssyncadd.s32 $0xFFFFC000  }
0x66: {  	_ =	swait.ge [sflag:s23], $0x4000  }
0x67: {  	[sflag:s23] =	ssyncset.done $0x0  }
0x68: {  	[sflag:s23] =	ssyncadd.s32 $0xFFFFC000  }
0x69: {  	[hbm4b:s6+s2] =	stream.linear.scatter [tilespmem:s17], [sflag:$0x5], $0x4000, $0x38;
	[tilespmem:$0x16400] =	vst v63  }
0x6a: {  	_ =	swait.ge [sflag:s14], $0x4000  }
0x6b: {  	[sflag:s14] =	ssyncset.done $0x0  }
0x6c: {  	[sflag:s14] =	ssyncadd.s32 $0xFFFFC000  }
0x6d: {  	_ =	swait.ge [sflag:s24], $0x4000  }
0x6e: {  	[sflag:s24] =	ssyncset.done $0x0  }
0x6f: {  	[sflag:s24] =	ssyncadd.s32 $0xFFFFC000  }
0x70: {  	[hbm4b:s7+s2] =	stream.linear.scatter [tilespmem:s19], [sflag:$0x5], $0x4000, $0x38;
	[tilespmem:$0x16400] =	vst v63  }
0x71: {  	_ =	swait.ge [sflag:s14], $0x4000  }
0x72: {  	[sflag:s14] =	ssyncset.done $0x0  }
0x73: {  	[sflag:s14] =	ssyncadd.s32 $0xFFFFC000  }
0x74: {  	s26 =	sadd.s32 $0x1, s26;
	_ =	swait.ge [sflag:s25], $0x4000  }
0x75: {  	p0 =	sne.s32 s26, s9;
	[sflag:s25] =	ssyncset.done $0x0  }
.Ltmp1:
0x76: {  	[sflag:s25] =	ssyncadd.s32 $0xFFFFC000;
	(pc) =	sbr.rel @p0 .LBB2_1-.Ltmp1, $4  }
0x77: {  	[hbm4b:s8+s2] =	stream.linear.scatter [tilespmem:s21], [sflag:$0x5], $0x4000, $0x38;
	[tilespmem:$0x16400] =	vst v63  }
0x78: {  	_ =	swait.ge [sflag:s14], $0x4000  }
0x79: {  	[sflag:s14] =	ssyncset.done $0x0  }
0x7a: {  	[sflag:s14] =	ssyncadd.s32 $0xFFFFC000  }
0x7b: {  	_ =	sfence.sel $0x180000  }
0x7c: {  	[bflag:$0x0] =	sbarrier.arrive $0xFFFF  }
0x7d: {  	_ =	strace $0x90000047  }
0x7e: {  	[bflag:$0x2] =	sbarrier.arrive $0xFFFF  }
0x7f: {  	p0 =	sne.s32 s0, $0x0;
	s0 =	rddreg [dreg:$0x2]  }
0x80: {  	s0 =	sadd.s32 @!p0 $0x100000, s0  }
0x81: {  	[sflag:s0] =	ssyncadd.tile.s32 @!p0 $0x1;
	_ =	shalt  }
.Lfunc_end2:
_tile_overlayer_lowered:
.L_overlay_start_2:
0x82: {  	(tag) =	ssettag $0x2  }
0x83: {  	s0 =	rddreg [dreg:$0x0];
	s2 =	stileid.u32  }
0x84: {  	s1 =	rddreg [dreg:$0x1];
	p0 =	sne.s32 s2, $0x0  }
0x85: {  	s3 =	rddreg [dreg:$0x2];
	[bflag:$0x3] =	sbarrier.arrive $0xFFFF;
	s2 =	simm.s32 @!p0 $0x1C05  }
0x86: {  	[timem:s3], [sflag:s2] =	dma.local @!p0 [hbm:s0], s1  }
0x87: {  	s0 =	simm.s32 @!p0 $0x5  }
0x88: {  	_ =	swait.ge @!p0 [sflag:s0], s1  }
0x89: {  	s1 =	ssub.s32 @!p0 $0x0, s1;
	[sflag:s0] =	ssyncset.done @!p0 $0x0  }
0x8a: {  	[sflag:s0] =	ssyncadd.s32 @!p0 s1  }
0x8b: {  	[bflag:$0x3] =	sbarrier.arrive $0xFFFF  }
0x8c: {  	_ =	shalt  }

</sc_bundles>
